<compile_context>
chip_gen: v7x
topology: tpu7x:2x2x1
jax: 0.10.2.dev20260603
libtpu: 0.0.44.dev20260713+nightly
codegen_flags: <defaults>
</compile_context>

<pallas_src>
import functools

import jax
import jax.numpy as jnp
from jax import lax
from jax.experimental import pallas as pl
from jax.experimental.pallas import tpu as pltpu
from jax.experimental.pallas import tpu_sc as plsc

N, DIM, K = 4096, 32, 8192
D2 = 2 * DIM
NT = 512
KC = 1024

NC = 2
NS = 16
NW = NC * NS
BPW = N // NW


NL = 128


def _argmin_body(z_ref, w_ref, idx_ref, msum_ref):
    z = z_ref[...]
    x2 = jnp.sum(z * z, axis=1, keepdims=True)
    zm2 = z * (-2.0)
    m_st = jnp.full((NT, NL), jnp.inf, dtype=jnp.float32)
    s_st = jnp.full((NT, NL), jnp.inf, dtype=jnp.float32)
    i_st = jnp.zeros((NT, NL), dtype=jnp.int32)
    lane = lax.broadcasted_iota(jnp.int32, (NT, NL), 1)
    for j in range(K // KC):
        wc = w_ref[pl.ds(j * KC, KC), :]
        w2 = jnp.sum(wc * wc, axis=1).reshape(1, KC)
        sp = lax.dot_general(zm2, wc, (((1,), (1,)), ((), ())),
                             preferred_element_type=jnp.float32)
        d2 = (x2 + w2) + sp
        d2c = jnp.maximum(d2, 0.0)
        for b in range(KC // NL):
            col = lax.slice(d2c, (0, b * NL), (NT, (b + 1) * NL))
            ci = lane + (j * KC + b * NL)
            upd = col < m_st
            s_st = jnp.minimum(s_st, jnp.maximum(col, m_st))
            i_st = jnp.where(upd, ci, i_st)
            m_st = jnp.minimum(col, m_st)
    m_row = jnp.min(m_st, axis=1, keepdims=True)
    elig = m_st == m_row
    idx_row = jnp.min(jnp.where(elig, i_st, K), axis=1, keepdims=True)
    eq_cnt = jnp.sum(jnp.where(elig, 1, 0), axis=1, keepdims=True)
    sec_lanes = jnp.min(jnp.where(elig, jnp.inf, m_st), axis=1, keepdims=True)
    sec_carry = jnp.min(s_st, axis=1, keepdims=True)
    sec_row = jnp.minimum(sec_carry,
                          jnp.where(eq_cnt >= 2, m_row, sec_lanes))
    mbits = lax.bitcast_convert_type(m_row, jnp.int32)
    sbits = lax.bitcast_convert_type(sec_row, jnp.int32)
    flag = (sbits <= mbits + 8) & (sbits >= 0)
    nflag = jnp.sum(jnp.where(flag, 1, 0))
    idx_ref[...] = idx_row
    msum_ref[pl.ds(pl.program_id(0), 1), :] = jnp.sum(m_row).reshape(1, 1)

    @pl.when(nflag > 0)
    def _exact():
        best_d = jnp.full((NT, 1), jnp.inf, dtype=jnp.float32)
        best_i = jnp.zeros((NT, 1), dtype=jnp.int32)
        for j in range(K // KC):
            wc = w_ref[pl.ds(j * KC, KC), :]
            w2 = jnp.sum(wc * wc, axis=1).reshape(1, KC)
            s = lax.dot_general(z, wc, (((1,), (1,)), ((), ())),
                                preferred_element_type=jnp.float32)
            d2 = (x2 + w2) - 2.0 * s
            d = jnp.sqrt(jnp.maximum(d2, 0.0))
            m = jnp.min(d, axis=1, keepdims=True)
            iota = lax.broadcasted_iota(jnp.int32, (NT, KC), 1) + j * KC
            cand = jnp.min(jnp.where(d == m, iota, K), axis=1, keepdims=True)
            updx = m < best_d
            best_d = jnp.where(updx, m, best_d)
            best_i = jnp.where(updx, cand, best_i)
        idx_ref[...] = best_i


def _argmin_call(z_flat, W):
    return pl.pallas_call(
        _argmin_body,
        grid=(N // NT,),
        in_specs=[
            pl.BlockSpec((NT, D2), lambda i: (i, 0)),
            pl.BlockSpec((K, D2), lambda i: (0, 0)),
        ],
        out_specs=[
            pl.BlockSpec((NT, 1), lambda i: (i, 0)),
            pl.BlockSpec((N // NT, 1), lambda i: (0, 0)),
        ],
        out_shape=[
            jax.ShapeDtypeStruct((N, 1), jnp.int32),
            jax.ShapeDtypeStruct((N // NT, 1), jnp.float32),
        ],
    )(z_flat, W)


def _gather_hist_body(w_hbm, idx_hbm, zeros_hbm, ones_hbm,
                      zq_out, cnt_out,
                      idx_v, rows_v, ones_v, cnt_sh, sem):
    c = lax.axis_index("c")
    s = lax.axis_index("s")
    wid = s * NC + c
    base = wid * BPW
    pltpu.sync_copy(idx_hbm.at[pl.ds(base, BPW)], idx_v)
    pltpu.async_copy(w_hbm.at[idx_v], rows_v, sem).wait()
    pltpu.sync_copy(rows_v, zq_out.at[pl.ds(base, BPW)])
    pltpu.sync_copy(ones_hbm, ones_v)

    @pl.when(s == 0)
    def _():
        pltpu.sync_copy(zeros_hbm, cnt_sh)

    plsc.subcore_barrier()
    pltpu.sync_copy(ones_v, cnt_sh.at[idx_v], add=True)
    plsc.subcore_barrier()

    @pl.when(s == 0)
    def _():
        pltpu.sync_copy(cnt_sh, cnt_out.at[c])


def _gather_hist_call(W, idx, zeros_k, ones_b):
    fn = functools.partial(
        pl.kernel,
        mesh=plsc.VectorSubcoreMesh(core_axis_name="c", subcore_axis_name="s"),
        out_type=[
            jax.ShapeDtypeStruct((N, D2), jnp.float32),
            jax.ShapeDtypeStruct((NC, K), jnp.float32),
        ],
        scratch_types=[
            pltpu.VMEM((BPW,), jnp.int32),
            pltpu.VMEM((BPW, D2), jnp.float32),
            pltpu.VMEM((BPW,), jnp.float32),
            pltpu.VMEM_SHARED((K,), jnp.float32),
            pltpu.SemaphoreType.DMA,
        ],
        compiler_params=pltpu.CompilerParams(use_tc_tiling_on_sc=False),
    )(_gather_hist_body)
    return fn(W, idx, zeros_k, ones_b)


def _loss_body(msum_ref, cnt_ref, loss_ref, perp_ref):
    tot = jnp.sum(msum_ref[...])
    loss_ref[...] = (jnp.float32(1.25 / (N * D2)) * tot).reshape(1, 1)
    p = jnp.sum(cnt_ref[...], axis=0, keepdims=True) * (1.0 / N)
    ent = jnp.sum(p * jnp.log(p + 1e-10))
    perp_ref[...] = jnp.exp(-ent).reshape(1, 1)


def _loss_call(msum, cnt):
    return pl.pallas_call(
        _loss_body,
        in_specs=[
            pl.BlockSpec((N // NT, 1), lambda: (0, 0)),
            pl.BlockSpec((NC, K), lambda: (0, 0)),
        ],
        out_specs=[
            pl.BlockSpec((1, 1), lambda: (0, 0)),
            pl.BlockSpec((1, 1), lambda: (0, 0)),
        ],
        out_shape=[
            jax.ShapeDtypeStruct((1, 1), jnp.float32),
            jax.ShapeDtypeStruct((1, 1), jnp.float32),
        ],
    )(msum, cnt)


def kernel(z_real, z_imag, W):
    z_flat = jnp.concatenate([z_real, z_imag], axis=-1)
    idx2d, msum = _argmin_call(z_flat, W)
    idx = idx2d.reshape(N)
    zeros_k = jnp.zeros((K,), jnp.float32)
    ones_b = jnp.ones((BPW,), jnp.float32)
    zq, cnt = _gather_hist_call(W, idx, zeros_k, ones_b)
    loss, perp = _loss_call(msum, cnt)
    z_q_c = lax.complex(zq[:, :DIM], zq[:, DIM:])
    return z_q_c, loss.reshape(()), perp.reshape(())

# --- scband reference (transcript-rebuilt; emitter-appended) ---
"""Pipeline reference for scband-stabilized-vq-23536420782588 (READ-ONLY COPY).

The authoritative reference and input builder live on the scoring server;
editing this copy changes nothing except your own understanding.
"""

import jax, jax.numpy as jnp
import numpy as np

N, DIM, K = 4096, 32, 8192

def setup_inputs(seed: int = 0) -> dict:
    key = jax.random.key(seed)
    k1, k2, k3 = jax.random.split(key, 3)
    z_real = jax.random.normal(k1, (N, DIM), dtype=jnp.float32)
    z_imag = jax.random.normal(k2, (N, DIM), dtype=jnp.float32)
    W = jax.random.normal(k3, (K, 2 * DIM), dtype=jnp.float32)
    # approximate orthogonal init: normalize rows (exact QR-based orthogonal init
    # is not needed for a numerical reference; scale statistics are comparable)
    W = W / jnp.linalg.norm(W, axis=-1, keepdims=True)
    return {"z_real": z_real, "z_imag": z_imag, "W": W}

def reference(z_real, z_imag, W):
    # torch forward takes complex z; here z = z_real + 1j*z_imag
    z_flat = jnp.concatenate([z_real, z_imag], axis=-1)  # [N, 2*DIM]
    # torch.cdist (euclidean) between z_flat [N,1,2d] and W [1,K,2d] -> [N,K]
    x2 = jnp.sum(z_flat * z_flat, axis=-1, keepdims=True)          # [N,1]
    w2 = jnp.sum(W * W, axis=-1)[None, :]                          # [1,K]
    d2 = x2 + w2 - 2.0 * (z_flat @ W.T)
    d = jnp.sqrt(jnp.maximum(d2, 0.0))
    indices = jnp.argmin(d, axis=-1)                               # [N]
    z_q = jnp.take(W, indices, axis=0)                             # embedding lookup [N, 2*DIM]
    commitment_loss = jnp.mean((jax.lax.stop_gradient(z_q) - z_flat) ** 2)
    codebook_loss = jnp.mean((z_q - jax.lax.stop_gradient(z_flat)) ** 2)
    vq_loss = codebook_loss + 0.25 * commitment_loss
    z_q_st = z_flat + jax.lax.stop_gradient(z_q - z_flat)          # straight-through
    encodings = jax.nn.one_hot(indices, K, dtype=jnp.float32)      # [N, K]
    avg_probs = jnp.mean(encodings, axis=0)
    perplexity = jnp.exp(-jnp.sum(avg_probs * jnp.log(avg_probs + 1e-10)))
    z_q_c = z_q_st[..., :DIM] + 1j * z_q_st[..., DIM:]
    return z_q_c, vq_loss, perplexity

if __name__ == "__main__":
    import jax
    _d = setup_inputs()
    print(jax.jit(kernel)(*tuple(_d.values())))

</pallas_src>

<mosaic_0001>
#map = affine_map<(d0, d1) -> (0, 0)>
#map1 = affine_map<(d0, d1) -> (0)>
module attributes {stable_mosaic.version = 14 : i64} {
  func.func @_gather_hist_body(%arg0: i32, %arg1: i32, %arg2: memref<8192x64xf32, #tpu.memory_space<hbm>>, %arg3: memref<4096xi32, #tpu.memory_space<hbm>>, %arg4: memref<8192xf32, #tpu.memory_space<hbm>>, %arg5: memref<128xf32, #tpu.memory_space<hbm>>, %arg6: memref<4096x64xf32, #tpu.memory_space<hbm>>, %arg7: memref<2x8192xf32, #tpu.memory_space<hbm>>, %arg8: memref<128xi32, #tpu.memory_space<vmem>>, %arg9: memref<128x64xf32, #tpu.memory_space<vmem>>, %arg10: memref<128xf32, #tpu.memory_space<vmem>>, %arg11: memref<8192xf32, #tpu.memory_space<vmem_shared>>, %arg12: memref<!tpu.dma_semaphore, #tpu.memory_space<semaphore_mem>>) attributes {dimension_semantics = [#tpu.dimension_semantics<core_parallel>, #tpu.dimension_semantics<subcore_parallel>], iteration_bounds = array<i64: 2, 16>, scalar_prefetch = 0 : i64, scratch_operands = 5 : i64, tpu.core_type = #tpu.core_type<sc_vector_subcore>, window_params = [{transform_indices = #map}, {transform_indices = #map1}, {transform_indices = #map1}, {transform_indices = #map1}, {transform_indices = #map}, {transform_indices = #map}]} {
    %mul3A = arith.constant 2 : i32
    %mul3A_0 = arith.muli %arg1, %mul3A : i32
    %add3A = arith.addi %mul3A_0, %arg0 : i32
    %mul3A_1 = arith.constant 128 : i32
    %mul3A_2 = arith.muli %add3A, %mul3A_1 : i32
    "tpu.region"() ({
      %run_scoped3A = tpu.sem_alloc : memref<!tpu.dma_semaphore, #tpu.memory_space<semaphore_mem>>
      %dma_start3A_15 = tpu.memref_slice %arg3[%mul3A_2] : memref<4096xi32, #tpu.memory_space<hbm>> -> memref<128xi32, #tpu.memory_space<hbm>>
      %dma_start3A_16 = tpu.memref_slice %arg3[%mul3A_2] : memref<4096xi32, #tpu.memory_space<hbm>> -> memref<128xi32, #tpu.memory_space<hbm>>
      tpu.enqueue_dma source(%dma_start3A_16 : memref<128xi32, #tpu.memory_space<hbm>>) target(%arg8 : memref<128xi32, #tpu.memory_space<vmem>>) target_semaphore(%run_scoped3A : memref<!tpu.dma_semaphore, #tpu.memory_space<semaphore_mem>>)
      %dma_wait3A_17 = tpu.memref_slice %arg3[%mul3A_2] : memref<4096xi32, #tpu.memory_space<hbm>> -> memref<128xi32, #tpu.memory_space<hbm>>
      %dma_wait3A_18 = tpu.memref_slice %arg3[%mul3A_2] : memref<4096xi32, #tpu.memory_space<hbm>> -> memref<128xi32, #tpu.memory_space<hbm>>
      tpu.wait_dma2 semaphore(%run_scoped3A : memref<!tpu.dma_semaphore, #tpu.memory_space<semaphore_mem>>) src(%dma_wait3A_18 : memref<128xi32, #tpu.memory_space<hbm>>) dst(%arg8 : memref<128xi32, #tpu.memory_space<vmem>>)
      tpu.yield
    }) : () -> ()
    %dma_start3A = arith.constant 0 : i32
    %dma_start3A_3 = arith.constant 0 : i32
    %dma_start3A_4 = tpu.memref_slice %arg2[%dma_start3A, %dma_start3A_3] : memref<8192x64xf32, #tpu.memory_space<hbm>> -> memref<8192x64xf32, #tpu.memory_space<hbm>>
    tpu.enqueue_indirect_dma source(%dma_start3A_4 : memref<8192x64xf32, #tpu.memory_space<hbm>>) target(%arg9 : memref<128x64xf32, #tpu.memory_space<vmem>>) offsets(%arg8 : memref<128xi32, #tpu.memory_space<vmem>>) semaphore(%arg12 : memref<!tpu.dma_semaphore, #tpu.memory_space<semaphore_mem>>)
    %dma_wait3A = arith.constant 0 : i32
    %dma_wait3A_5 = arith.constant 0 : i32
    %dma_wait3A_6 = tpu.memref_slice %arg2[%dma_wait3A, %dma_wait3A_5] : memref<8192x64xf32, #tpu.memory_space<hbm>> -> memref<8192x64xf32, #tpu.memory_space<hbm>>
    tpu.wait_indirect_dma semaphore(%arg12 : memref<!tpu.dma_semaphore, #tpu.memory_space<semaphore_mem>>) src(%dma_wait3A_6 : memref<8192x64xf32, #tpu.memory_space<hbm>>) dst(%arg9 : memref<128x64xf32, #tpu.memory_space<vmem>>)
    "tpu.region"() ({
      %run_scoped3A = tpu.sem_alloc : memref<!tpu.dma_semaphore, #tpu.memory_space<semaphore_mem>>
      %dma_start3A_15 = arith.constant 0 : i32
      %dma_start3A_16 = tpu.memref_slice %arg6[%mul3A_2, %dma_start3A_15] : memref<4096x64xf32, #tpu.memory_space<hbm>> -> memref<128x64xf32, #tpu.memory_space<hbm>>
      %dma_start3A_17 = arith.constant 0 : i32
      %dma_start3A_18 = tpu.memref_slice %arg6[%mul3A_2, %dma_start3A_17] : memref<4096x64xf32, #tpu.memory_space<hbm>> -> memref<128x64xf32, #tpu.memory_space<hbm>>
      tpu.enqueue_dma source(%arg9 : memref<128x64xf32, #tpu.memory_space<vmem>>) target(%dma_start3A_18 : memref<128x64xf32, #tpu.memory_space<hbm>>) target_semaphore(%run_scoped3A : memref<!tpu.dma_semaphore, #tpu.memory_space<semaphore_mem>>)
      %dma_wait3A_19 = arith.constant 0 : i32
      %dma_wait3A_20 = tpu.memref_slice %arg6[%mul3A_2, %dma_wait3A_19] : memref<4096x64xf32, #tpu.memory_space<hbm>> -> memref<128x64xf32, #tpu.memory_space<hbm>>
      %dma_wait3A_21 = arith.constant 0 : i32
      %dma_wait3A_22 = tpu.memref_slice %arg6[%mul3A_2, %dma_wait3A_21] : memref<4096x64xf32, #tpu.memory_space<hbm>> -> memref<128x64xf32, #tpu.memory_space<hbm>>
      tpu.wait_dma2 semaphore(%run_scoped3A : memref<!tpu.dma_semaphore, #tpu.memory_space<semaphore_mem>>) src(%arg9 : memref<128x64xf32, #tpu.memory_space<vmem>>) dst(%dma_wait3A_22 : memref<128x64xf32, #tpu.memory_space<hbm>>)
      tpu.yield
    }) : () -> ()
    "tpu.region"() ({
      %run_scoped3A = tpu.sem_alloc : memref<!tpu.dma_semaphore, #tpu.memory_space<semaphore_mem>>
      tpu.enqueue_dma source(%arg5 : memref<128xf32, #tpu.memory_space<hbm>>) target(%arg10 : memref<128xf32, #tpu.memory_space<vmem>>) target_semaphore(%run_scoped3A : memref<!tpu.dma_semaphore, #tpu.memory_space<semaphore_mem>>)
      tpu.wait_dma2 semaphore(%run_scoped3A : memref<!tpu.dma_semaphore, #tpu.memory_space<semaphore_mem>>) src(%arg5 : memref<128xf32, #tpu.memory_space<hbm>>) dst(%arg10 : memref<128xf32, #tpu.memory_space<vmem>>)
      tpu.yield
    }) : () -> ()
    %eq3A = arith.constant 0 : i32
    %eq3A_7 = arith.cmpi eq, %arg1, %eq3A : i32
    %convert_element_type3A = arith.extui %eq3A_7 : i1 to i32
    %cond3A = arith.constant 0 : i32
    %cond3A_8 = arith.cmpi ne, %convert_element_type3A, %cond3A : i32
    scf.if %cond3A_8 {
      "tpu.region"() ({
        %run_scoped3A = tpu.sem_alloc : memref<!tpu.dma_semaphore, #tpu.memory_space<semaphore_mem>>
        tpu.enqueue_dma source(%arg4 : memref<8192xf32, #tpu.memory_space<hbm>>) target(%arg11 : memref<8192xf32, #tpu.memory_space<vmem_shared>>) target_semaphore(%run_scoped3A : memref<!tpu.dma_semaphore, #tpu.memory_space<semaphore_mem>>)
        tpu.wait_dma2 semaphore(%run_scoped3A : memref<!tpu.dma_semaphore, #tpu.memory_space<semaphore_mem>>) src(%arg4 : memref<8192xf32, #tpu.memory_space<hbm>>) dst(%arg11 : memref<8192xf32, #tpu.memory_space<vmem_shared>>)
        tpu.yield
      }) : () -> ()
    } else {
    }
    %barrier3A = arith.constant 0 : index
    tpu.barrier barrier_id(%barrier3A)
    "tpu.region"() ({
      %run_scoped3A = tpu.sem_alloc : memref<!tpu.dma_semaphore, #tpu.memory_space<semaphore_mem>>
      %dma_start3A_15 = arith.constant 0 : i32
      %dma_start3A_16 = tpu.memref_slice %arg11[%dma_start3A_15] : memref<8192xf32, #tpu.memory_space<vmem_shared>> -> memref<8192xf32, #tpu.memory_space<vmem_shared>>
      tpu.enqueue_indirect_dma source(%arg10 : memref<128xf32, #tpu.memory_space<vmem>>) target(%dma_start3A_16 : memref<8192xf32, #tpu.memory_space<vmem_shared>>) offsets(%arg8 : memref<128xi32, #tpu.memory_space<vmem>>) semaphore(%run_scoped3A : memref<!tpu.dma_semaphore, #tpu.memory_space<semaphore_mem>>) {add = true}
      %dma_wait3A_17 = arith.constant 0 : i32
      %dma_wait3A_18 = tpu.memref_slice %arg11[%dma_wait3A_17] : memref<8192xf32, #tpu.memory_space<vmem_shared>> -> memref<8192xf32, #tpu.memory_space<vmem_shared>>
      tpu.wait_indirect_dma semaphore(%run_scoped3A : memref<!tpu.dma_semaphore, #tpu.memory_space<semaphore_mem>>) src(%arg10 : memref<128xf32, #tpu.memory_space<vmem>>) dst(%dma_wait3A_18 : memref<8192xf32, #tpu.memory_space<vmem_shared>>)
      tpu.yield
    }) : () -> ()
    %barrier3A_9 = arith.constant 0 : index
    tpu.barrier barrier_id(%barrier3A_9)
    %eq3A_10 = arith.constant 0 : i32
    %eq3A_11 = arith.cmpi eq, %arg1, %eq3A_10 : i32
    %convert_element_type3A_12 = arith.extui %eq3A_11 : i1 to i32
    %cond3A_13 = arith.constant 0 : i32
    %cond3A_14 = arith.cmpi ne, %convert_element_type3A_12, %cond3A_13 : i32
    scf.if %cond3A_14 {
      "tpu.region"() ({
        %run_scoped3A = tpu.sem_alloc : memref<!tpu.dma_semaphore, #tpu.memory_space<semaphore_mem>>
        %dma_start3A_15 = arith.constant 0 : i32
        %dma_start3A_16 = tpu.memref_slice %arg7[%arg0, %dma_start3A_15] : memref<2x8192xf32, #tpu.memory_space<hbm>> -> memref<1x8192xf32, #tpu.memory_space<hbm>>
        %dma_start3A_17 = tpu.memref_squeeze %dma_start3A_16 : memref<1x8192xf32, #tpu.memory_space<hbm>> -> memref<8192xf32, #tpu.memory_space<hbm>>
        tpu.enqueue_dma source(%arg11 : memref<8192xf32, #tpu.memory_space<vmem_shared>>) target(%dma_start3A_17 : memref<8192xf32, #tpu.memory_space<hbm>>) target_semaphore(%run_scoped3A : memref<!tpu.dma_semaphore, #tpu.memory_space<semaphore_mem>>)
        %dma_wait3A_18 = arith.constant 0 : i32
        %dma_wait3A_19 = tpu.memref_slice %arg7[%arg0, %dma_wait3A_18] : memref<2x8192xf32, #tpu.memory_space<hbm>> -> memref<1x8192xf32, #tpu.memory_space<hbm>>
        %dma_wait3A_20 = tpu.memref_squeeze %dma_wait3A_19 : memref<1x8192xf32, #tpu.memory_space<hbm>> -> memref<8192xf32, #tpu.memory_space<hbm>>
        tpu.wait_dma2 semaphore(%run_scoped3A : memref<!tpu.dma_semaphore, #tpu.memory_space<semaphore_mem>>) src(%arg11 : memref<8192xf32, #tpu.memory_space<vmem_shared>>) dst(%dma_wait3A_20 : memref<8192xf32, #tpu.memory_space<hbm>>)
        tpu.yield
      }) : () -> ()
    } else {
    }
    return
  }
}

module attributes {stable_mosaic.version = 14 : i64} {
  func.func @_argmin_body(%arg0: i32, %arg1: memref<512x64xf32, #tpu.memory_space<vmem>>, %arg2: memref<8192x64xf32, #tpu.memory_space<vmem>>, %arg3: memref<512x1xi32, #tpu.memory_space<vmem>>, %arg4: memref<8x1xf32, #tpu.memory_space<vmem>>) attributes {dimension_semantics = [#tpu.dimension_semantics<arbitrary>], iteration_bounds = array<i64: 8>, scalar_prefetch = 0 : i64, scratch_operands = 0 : i64, tpu.core_type = #tpu.core_type<tc>, window_params = [{transform_indices = @transform_0, window_bounds = array<i64: 512, 64>}, {pipeline_mode = #tpu.pipeline_mode<synchronous>, transform_indices = @transform_1, window_bounds = array<i64: 8192, 64>}, {transform_indices = @transform_2, window_bounds = array<i64: 512, 1>}, {pipeline_mode = #tpu.pipeline_mode<synchronous>, transform_indices = @transform_3, window_bounds = array<i64: 8, 1>}]} {
    %get3A = arith.constant 0 : index
    %get3A_0 = arith.constant 0 : index
    %get3A_1 = vector.load %arg1[%get3A, %get3A_0] : memref<512x64xf32, #tpu.memory_space<vmem>>, vector<512x64xf32>
    %mul3A = arith.mulf %get3A_1, %get3A_1 : vector<512x64xf32>
    %reduce_sum3A = arith.constant dense<0.000000e+00> : vector<512xf32>
    %reduce_sum3A_2 = vector.multi_reduction <add>, %mul3A, %reduce_sum3A [1] : vector<512x64xf32> to vector<512xf32>
    %broadcast_in_dim3A = vector.shape_cast %reduce_sum3A_2 : vector<512xf32> to vector<512x1xf32>
    %mul3A_3 = arith.constant -2.000000e+00 : f32
    %mul3A_4 = vector.broadcast %mul3A_3 : f32 to vector<512x64xf32>
    %mul3A_5 = arith.mulf %get3A_1, %mul3A_4 : vector<512x64xf32>
    %broadcast_in_dim3A_6 = arith.constant 0x7F800000 : f32
    %broadcast_in_dim3A_7 = vector.broadcast %broadcast_in_dim3A_6 : f32 to vector<512x128xf32>
    %broadcast_in_dim3A_8 = arith.constant 0x7F800000 : f32
    %broadcast_in_dim3A_9 = vector.broadcast %broadcast_in_dim3A_8 : f32 to vector<512x128xf32>
    %broadcast_in_dim3A_10 = arith.constant 0 : i32
    %broadcast_in_dim3A_11 = vector.broadcast %broadcast_in_dim3A_10 : i32 to vector<512x128xi32>
    %iota3A = tpu.iota {dimensions = array<i32: 1>} : vector<512x128xi32>
    %get3A_12 = arith.constant 0 : index
    %get3A_13 = arith.constant 0 : index
    %get3A_14 = vector.load %arg2[%get3A_12, %get3A_13] : memref<8192x64xf32, #tpu.memory_space<vmem>>, vector<1024x64xf32>
    %mul3A_15 = arith.mulf %get3A_14, %get3A_14 : vector<1024x64xf32>
    %reduce_sum3A_16 = arith.constant dense<0.000000e+00> : vector<1024xf32>
    %reduce_sum3A_17 = vector.multi_reduction <add>, %mul3A_15, %reduce_sum3A_16 [1] : vector<1024x64xf32> to vector<1024xf32>
    %reshape3A = vector.shape_cast %reduce_sum3A_17 : vector<1024xf32> to vector<1x1024xf32>
    %dot_general3A = arith.constant dense<0.000000e+00> : vector<512x1024xf32>
    %dot_general3A_18 = tpu.matmul %mul3A_5, %get3A_14, %dot_general3A {dimension_numbers = #tpu.dot_dimension_numbers<[1], [1], [0], [0], [0, 0, 1, 0], [], []>, transpose_lhs_hint = false} : vector<512x64xf32>, vector<1024x64xf32>, vector<512x1024xf32> -> vector<512x1024xf32>
    %add3A = vector.broadcast %broadcast_in_dim3A : vector<512x1xf32> to vector<512x1024xf32>
    %add3A_19 = vector.broadcast %reshape3A : vector<1x1024xf32> to vector<512x1024xf32>
    %add3A_20 = arith.addf %add3A, %add3A_19 : vector<512x1024xf32>
    %add3A_21 = arith.addf %add3A_20, %dot_general3A_18 : vector<512x1024xf32>
    %max3A = arith.constant 0.000000e+00 : f32
    %max3A_22 = vector.broadcast %max3A : f32 to vector<512x1024xf32>
    %max3A_23 = arith.maximumf %add3A_21, %max3A_22 : vector<512x1024xf32>
    %slice3A = vector.extract_strided_slice %max3A_23 {offsets = [0, 0], sizes = [512, 128], strides = [1, 1]} : vector<512x1024xf32> to vector<512x128xf32>
    %add3A_24 = arith.constant 0 : i32
    %add3A_25 = vector.broadcast %add3A_24 : i32 to vector<512x128xi32>
    %add3A_26 = arith.addi %iota3A, %add3A_25 : vector<512x128xi32>
    %lt3A = arith.cmpf olt, %slice3A, %broadcast_in_dim3A_7 : vector<512x128xf32>
    %max3A_27 = arith.maximumf %slice3A, %broadcast_in_dim3A_7 : vector<512x128xf32>
    %min3A = arith.minimumf %broadcast_in_dim3A_9, %max3A_27 : vector<512x128xf32>
    %select_n3A = arith.select %lt3A, %add3A_26, %broadcast_in_dim3A_11 : vector<512x128xi1>, vector<512x128xi32>
    %min3A_28 = arith.minimumf %slice3A, %broadcast_in_dim3A_7 : vector<512x128xf32>
    %slice3A_29 = vector.extract_strided_slice %max3A_23 {offsets = [0, 128], sizes = [512, 128], strides = [1, 1]} : vector<512x1024xf32> to vector<512x128xf32>
    %add3A_30 = arith.constant 128 : i32
    %add3A_31 = vector.broadcast %add3A_30 : i32 to vector<512x128xi32>
    %add3A_32 = arith.addi %iota3A, %add3A_31 : vector<512x128xi32>
    %lt3A_33 = arith.cmpf olt, %slice3A_29, %min3A_28 : vector<512x128xf32>
    %max3A_34 = arith.maximumf %slice3A_29, %min3A_28 : vector<512x128xf32>
    %min3A_35 = arith.minimumf %min3A, %max3A_34 : vector<512x128xf32>
    %select_n3A_36 = arith.select %lt3A_33, %add3A_32, %select_n3A : vector<512x128xi1>, vector<512x128xi32>
    %min3A_37 = arith.minimumf %slice3A_29, %min3A_28 : vector<512x128xf32>
    %slice3A_38 = vector.extract_strided_slice %max3A_23 {offsets = [0, 256], sizes = [512, 128], strides = [1, 1]} : vector<512x1024xf32> to vector<512x128xf32>
    %add3A_39 = arith.constant 256 : i32
    %add3A_40 = vector.broadcast %add3A_39 : i32 to vector<512x128xi32>
    %add3A_41 = arith.addi %iota3A, %add3A_40 : vector<512x128xi32>
    %lt3A_42 = arith.cmpf olt, %slice3A_38, %min3A_37 : vector<512x128xf32>
    %max3A_43 = arith.maximumf %slice3A_38, %min3A_37 : vector<512x128xf32>
    %min3A_44 = arith.minimumf %min3A_35, %max3A_43 : vector<512x128xf32>
    %select_n3A_45 = arith.select %lt3A_42, %add3A_41, %select_n3A_36 : vector<512x128xi1>, vector<512x128xi32>
    %min3A_46 = arith.minimumf %slice3A_38, %min3A_37 : vector<512x128xf32>
    %slice3A_47 = vector.extract_strided_slice %max3A_23 {offsets = [0, 384], sizes = [512, 128], strides = [1, 1]} : vector<512x1024xf32> to vector<512x128xf32>
    %add3A_48 = arith.constant 384 : i32
    %add3A_49 = vector.broadcast %add3A_48 : i32 to vector<512x128xi32>
    %add3A_50 = arith.addi %iota3A, %add3A_49 : vector<512x128xi32>
    %lt3A_51 = arith.cmpf olt, %slice3A_47, %min3A_46 : vector<512x128xf32>
    %max3A_52 = arith.maximumf %slice3A_47, %min3A_46 : vector<512x128xf32>
    %min3A_53 = arith.minimumf %min3A_44, %max3A_52 : vector<512x128xf32>
    %select_n3A_54 = arith.select %lt3A_51, %add3A_50, %select_n3A_45 : vector<512x128xi1>, vector<512x128xi32>
    %min3A_55 = arith.minimumf %slice3A_47, %min3A_46 : vector<512x128xf32>
    %slice3A_56 = vector.extract_strided_slice %max3A_23 {offsets = [0, 512], sizes = [512, 128], strides = [1, 1]} : vector<512x1024xf32> to vector<512x128xf32>
    %add3A_57 = arith.constant 512 : i32
    %add3A_58 = vector.broadcast %add3A_57 : i32 to vector<512x128xi32>
    %add3A_59 = arith.addi %iota3A, %add3A_58 : vector<512x128xi32>
    %lt3A_60 = arith.cmpf olt, %slice3A_56, %min3A_55 : vector<512x128xf32>
    %max3A_61 = arith.maximumf %slice3A_56, %min3A_55 : vector<512x128xf32>
    %min3A_62 = arith.minimumf %min3A_53, %max3A_61 : vector<512x128xf32>
    %select_n3A_63 = arith.select %lt3A_60, %add3A_59, %select_n3A_54 : vector<512x128xi1>, vector<512x128xi32>
    %min3A_64 = arith.minimumf %slice3A_56, %min3A_55 : vector<512x128xf32>
    %slice3A_65 = vector.extract_strided_slice %max3A_23 {offsets = [0, 640], sizes = [512, 128], strides = [1, 1]} : vector<512x1024xf32> to vector<512x128xf32>
    %add3A_66 = arith.constant 640 : i32
    %add3A_67 = vector.broadcast %add3A_66 : i32 to vector<512x128xi32>
    %add3A_68 = arith.addi %iota3A, %add3A_67 : vector<512x128xi32>
    %lt3A_69 = arith.cmpf olt, %slice3A_65, %min3A_64 : vector<512x128xf32>
    %max3A_70 = arith.maximumf %slice3A_65, %min3A_64 : vector<512x128xf32>
    %min3A_71 = arith.minimumf %min3A_62, %max3A_70 : vector<512x128xf32>
    %select_n3A_72 = arith.select %lt3A_69, %add3A_68, %select_n3A_63 : vector<512x128xi1>, vector<512x128xi32>
    %min3A_73 = arith.minimumf %slice3A_65, %min3A_64 : vector<512x128xf32>
    %slice3A_74 = vector.extract_strided_slice %max3A_23 {offsets = [0, 768], sizes = [512, 128], strides = [1, 1]} : vector<512x1024xf32> to vector<512x128xf32>
    %add3A_75 = arith.constant 768 : i32
    %add3A_76 = vector.broadcast %add3A_75 : i32 to vector<512x128xi32>
    %add3A_77 = arith.addi %iota3A, %add3A_76 : vector<512x128xi32>
    %lt3A_78 = arith.cmpf olt, %slice3A_74, %min3A_73 : vector<512x128xf32>
    %max3A_79 = arith.maximumf %slice3A_74, %min3A_73 : vector<512x128xf32>
    %min3A_80 = arith.minimumf %min3A_71, %max3A_79 : vector<512x128xf32>
    %select_n3A_81 = arith.select %lt3A_78, %add3A_77, %select_n3A_72 : vector<512x128xi1>, vector<512x128xi32>
    %min3A_82 = arith.minimumf %slice3A_74, %min3A_73 : vector<512x128xf32>
    %slice3A_83 = vector.extract_strided_slice %max3A_23 {offsets = [0, 896], sizes = [512, 128], strides = [1, 1]} : vector<512x1024xf32> to vector<512x128xf32>
    %add3A_84 = arith.constant 896 : i32
    %add3A_85 = vector.broadcast %add3A_84 : i32 to vector<512x128xi32>
    %add3A_86 = arith.addi %iota3A, %add3A_85 : vector<512x128xi32>
    %lt3A_87 = arith.cmpf olt, %slice3A_83, %min3A_82 : vector<512x128xf32>
    %max3A_88 = arith.maximumf %slice3A_83, %min3A_82 : vector<512x128xf32>
    %min3A_89 = arith.minimumf %min3A_80, %max3A_88 : vector<512x128xf32>
    %select_n3A_90 = arith.select %lt3A_87, %add3A_86, %select_n3A_81 : vector<512x128xi1>, vector<512x128xi32>
    %min3A_91 = arith.minimumf %slice3A_83, %min3A_82 : vector<512x128xf32>
    %get3A_92 = arith.constant 1024 : index
    %get3A_93 = arith.constant 0 : index
    %get3A_94 = vector.load %arg2[%get3A_92, %get3A_93] : memref<8192x64xf32, #tpu.memory_space<vmem>>, vector<1024x64xf32>
    %mul3A_95 = arith.mulf %get3A_94, %get3A_94 : vector<1024x64xf32>
    %reduce_sum3A_96 = arith.constant dense<0.000000e+00> : vector<1024xf32>
    %reduce_sum3A_97 = vector.multi_reduction <add>, %mul3A_95, %reduce_sum3A_96 [1] : vector<1024x64xf32> to vector<1024xf32>
    %reshape3A_98 = vector.shape_cast %reduce_sum3A_97 : vector<1024xf32> to vector<1x1024xf32>
    %dot_general3A_99 = arith.constant dense<0.000000e+00> : vector<512x1024xf32>
    %dot_general3A_100 = tpu.matmul %mul3A_5, %get3A_94, %dot_general3A_99 {dimension_numbers = #tpu.dot_dimension_numbers<[1], [1], [0], [0], [0, 0, 1, 0], [], []>, transpose_lhs_hint = false} : vector<512x64xf32>, vector<1024x64xf32>, vector<512x1024xf32> -> vector<512x1024xf32>
    %add3A_101 = vector.broadcast %broadcast_in_dim3A : vector<512x1xf32> to vector<512x1024xf32>
    %add3A_102 = vector.broadcast %reshape3A_98 : vector<1x1024xf32> to vector<512x1024xf32>
    %add3A_103 = arith.addf %add3A_101, %add3A_102 : vector<512x1024xf32>
    %add3A_104 = arith.addf %add3A_103, %dot_general3A_100 : vector<512x1024xf32>
    %max3A_105 = arith.constant 0.000000e+00 : f32
    %max3A_106 = vector.broadcast %max3A_105 : f32 to vector<512x1024xf32>
    %max3A_107 = arith.maximumf %add3A_104, %max3A_106 : vector<512x1024xf32>
    %slice3A_108 = vector.extract_strided_slice %max3A_107 {offsets = [0, 0], sizes = [512, 128], strides = [1, 1]} : vector<512x1024xf32> to vector<512x128xf32>
    %add3A_109 = arith.constant 1024 : i32
    %add3A_110 = vector.broadcast %add3A_109 : i32 to vector<512x128xi32>
    %add3A_111 = arith.addi %iota3A, %add3A_110 : vector<512x128xi32>
    %lt3A_112 = arith.cmpf olt, %slice3A_108, %min3A_91 : vector<512x128xf32>
    %max3A_113 = arith.maximumf %slice3A_108, %min3A_91 : vector<512x128xf32>
    %min3A_114 = arith.minimumf %min3A_89, %max3A_113 : vector<512x128xf32>
    %select_n3A_115 = arith.select %lt3A_112, %add3A_111, %select_n3A_90 : vector<512x128xi1>, vector<512x128xi32>
    %min3A_116 = arith.minimumf %slice3A_108, %min3A_91 : vector<512x128xf32>
    %slice3A_117 = vector.extract_strided_slice %max3A_107 {offsets = [0, 128], sizes = [512, 128], strides = [1, 1]} : vector<512x1024xf32> to vector<512x128xf32>
    %add3A_118 = arith.constant 1152 : i32
    %add3A_119 = vector.broadcast %add3A_118 : i32 to vector<512x128xi32>
    %add3A_120 = arith.addi %iota3A, %add3A_119 : vector<512x128xi32>
    %lt3A_121 = arith.cmpf olt, %slice3A_117, %min3A_116 : vector<512x128xf32>
    %max3A_122 = arith.maximumf %slice3A_117, %min3A_116 : vector<512x128xf32>
    %min3A_123 = arith.minimumf %min3A_114, %max3A_122 : vector<512x128xf32>
    %select_n3A_124 = arith.select %lt3A_121, %add3A_120, %select_n3A_115 : vector<512x128xi1>, vector<512x128xi32>
    %min3A_125 = arith.minimumf %slice3A_117, %min3A_116 : vector<512x128xf32>
    %slice3A_126 = vector.extract_strided_slice %max3A_107 {offsets = [0, 256], sizes = [512, 128], strides = [1, 1]} : vector<512x1024xf32> to vector<512x128xf32>
    %add3A_127 = arith.constant 1280 : i32
    %add3A_128 = vector.broadcast %add3A_127 : i32 to vector<512x128xi32>
    %add3A_129 = arith.addi %iota3A, %add3A_128 : vector<512x128xi32>
    %lt3A_130 = arith.cmpf olt, %slice3A_126, %min3A_125 : vector<512x128xf32>
    %max3A_131 = arith.maximumf %slice3A_126, %min3A_125 : vector<512x128xf32>
    %min3A_132 = arith.minimumf %min3A_123, %max3A_131 : vector<512x128xf32>
    %select_n3A_133 = arith.select %lt3A_130, %add3A_129, %select_n3A_124 : vector<512x128xi1>, vector<512x128xi32>
    %min3A_134 = arith.minimumf %slice3A_126, %min3A_125 : vector<512x128xf32>
    %slice3A_135 = vector.extract_strided_slice %max3A_107 {offsets = [0, 384], sizes = [512, 128], strides = [1, 1]} : vector<512x1024xf32> to vector<512x128xf32>
    %add3A_136 = arith.constant 1408 : i32
    %add3A_137 = vector.broadcast %add3A_136 : i32 to vector<512x128xi32>
    %add3A_138 = arith.addi %iota3A, %add3A_137 : vector<512x128xi32>
    %lt3A_139 = arith.cmpf olt, %slice3A_135, %min3A_134 : vector<512x128xf32>
    %max3A_140 = arith.maximumf %slice3A_135, %min3A_134 : vector<512x128xf32>
    %min3A_141 = arith.minimumf %min3A_132, %max3A_140 : vector<512x128xf32>
    %select_n3A_142 = arith.select %lt3A_139, %add3A_138, %select_n3A_133 : vector<512x128xi1>, vector<512x128xi32>
    %min3A_143 = arith.minimumf %slice3A_135, %min3A_134 : vector<512x128xf32>
    %slice3A_144 = vector.extract_strided_slice %max3A_107 {offsets = [0, 512], sizes = [512, 128], strides = [1, 1]} : vector<512x1024xf32> to vector<512x128xf32>
    %add3A_145 = arith.constant 1536 : i32
    %add3A_146 = vector.broadcast %add3A_145 : i32 to vector<512x128xi32>
    %add3A_147 = arith.addi %iota3A, %add3A_146 : vector<512x128xi32>
    %lt3A_148 = arith.cmpf olt, %slice3A_144, %min3A_143 : vector<512x128xf32>
    %max3A_149 = arith.maximumf %slice3A_144, %min3A_143 : vector<512x128xf32>
    %min3A_150 = arith.minimumf %min3A_141, %max3A_149 : vector<512x128xf32>
    %select_n3A_151 = arith.select %lt3A_148, %add3A_147, %select_n3A_142 : vector<512x128xi1>, vector<512x128xi32>
    %min3A_152 = arith.minimumf %slice3A_144, %min3A_143 : vector<512x128xf32>
    %slice3A_153 = vector.extract_strided_slice %max3A_107 {offsets = [0, 640], sizes = [512, 128], strides = [1, 1]} : vector<512x1024xf32> to vector<512x128xf32>
    %add3A_154 = arith.constant 1664 : i32
    %add3A_155 = vector.broadcast %add3A_154 : i32 to vector<512x128xi32>
    %add3A_156 = arith.addi %iota3A, %add3A_155 : vector<512x128xi32>
    %lt3A_157 = arith.cmpf olt, %slice3A_153, %min3A_152 : vector<512x128xf32>
    %max3A_158 = arith.maximumf %slice3A_153, %min3A_152 : vector<512x128xf32>
    %min3A_159 = arith.minimumf %min3A_150, %max3A_158 : vector<512x128xf32>
    %select_n3A_160 = arith.select %lt3A_157, %add3A_156, %select_n3A_151 : vector<512x128xi1>, vector<512x128xi32>
    %min3A_161 = arith.minimumf %slice3A_153, %min3A_152 : vector<512x128xf32>
    %slice3A_162 = vector.extract_strided_slice %max3A_107 {offsets = [0, 768], sizes = [512, 128], strides = [1, 1]} : vector<512x1024xf32> to vector<512x128xf32>
    %add3A_163 = arith.constant 1792 : i32
    %add3A_164 = vector.broadcast %add3A_163 : i32 to vector<512x128xi32>
    %add3A_165 = arith.addi %iota3A, %add3A_164 : vector<512x128xi32>
    %lt3A_166 = arith.cmpf olt, %slice3A_162, %min3A_161 : vector<512x128xf32>
    %max3A_167 = arith.maximumf %slice3A_162, %min3A_161 : vector<512x128xf32>
    %min3A_168 = arith.minimumf %min3A_159, %max3A_167 : vector<512x128xf32>
    %select_n3A_169 = arith.select %lt3A_166, %add3A_165, %select_n3A_160 : vector<512x128xi1>, vector<512x128xi32>
    %min3A_170 = arith.minimumf %slice3A_162, %min3A_161 : vector<512x128xf32>
    %slice3A_171 = vector.extract_strided_slice %max3A_107 {offsets = [0, 896], sizes = [512, 128], strides = [1, 1]} : vector<512x1024xf32> to vector<512x128xf32>
    %add3A_172 = arith.constant 1920 : i32
    %add3A_173 = vector.broadcast %add3A_172 : i32 to vector<512x128xi32>
    %add3A_174 = arith.addi %iota3A, %add3A_173 : vector<512x128xi32>
    %lt3A_175 = arith.cmpf olt, %slice3A_171, %min3A_170 : vector<512x128xf32>
    %max3A_176 = arith.maximumf %slice3A_171, %min3A_170 : vector<512x128xf32>
    %min3A_177 = arith.minimumf %min3A_168, %max3A_176 : vector<512x128xf32>
    %select_n3A_178 = arith.select %lt3A_175, %add3A_174, %select_n3A_169 : vector<512x128xi1>, vector<512x128xi32>
    %min3A_179 = arith.minimumf %slice3A_171, %min3A_170 : vector<512x128xf32>
    %get3A_180 = arith.constant 2048 : index
    %get3A_181 = arith.constant 0 : index
    %get3A_182 = vector.load %arg2[%get3A_180, %get3A_181] : memref<8192x64xf32, #tpu.memory_space<vmem>>, vector<1024x64xf32>
    %mul3A_183 = arith.mulf %get3A_182, %get3A_182 : vector<1024x64xf32>
    %reduce_sum3A_184 = arith.constant dense<0.000000e+00> : vector<1024xf32>
    %reduce_sum3A_185 = vector.multi_reduction <add>, %mul3A_183, %reduce_sum3A_184 [1] : vector<1024x64xf32> to vector<1024xf32>
    %reshape3A_186 = vector.shape_cast %reduce_sum3A_185 : vector<1024xf32> to vector<1x1024xf32>
    %dot_general3A_187 = arith.constant dense<0.000000e+00> : vector<512x1024xf32>
    %dot_general3A_188 = tpu.matmul %mul3A_5, %get3A_182, %dot_general3A_187 {dimension_numbers = #tpu.dot_dimension_numbers<[1], [1], [0], [0], [0, 0, 1, 0], [], []>, transpose_lhs_hint = false} : vector<512x64xf32>, vector<1024x64xf32>, vector<512x1024xf32> -> vector<512x1024xf32>
    %add3A_189 = vector.broadcast %broadcast_in_dim3A : vector<512x1xf32> to vector<512x1024xf32>
    %add3A_190 = vector.broadcast %reshape3A_186 : vector<1x1024xf32> to vector<512x1024xf32>
    %add3A_191 = arith.addf %add3A_189, %add3A_190 : vector<512x1024xf32>
    %add3A_192 = arith.addf %add3A_191, %dot_general3A_188 : vector<512x1024xf32>
    %max3A_193 = arith.constant 0.000000e+00 : f32
    %max3A_194 = vector.broadcast %max3A_193 : f32 to vector<512x1024xf32>
    %max3A_195 = arith.maximumf %add3A_192, %max3A_194 : vector<512x1024xf32>
    %slice3A_196 = vector.extract_strided_slice %max3A_195 {offsets = [0, 0], sizes = [512, 128], strides = [1, 1]} : vector<512x1024xf32> to vector<512x128xf32>
    %add3A_197 = arith.constant 2048 : i32
    %add3A_198 = vector.broadcast %add3A_197 : i32 to vector<512x128xi32>
    %add3A_199 = arith.addi %iota3A, %add3A_198 : vector<512x128xi32>
    %lt3A_200 = arith.cmpf olt, %slice3A_196, %min3A_179 : vector<512x128xf32>
    %max3A_201 = arith.maximumf %slice3A_196, %min3A_179 : vector<512x128xf32>
    %min3A_202 = arith.minimumf %min3A_177, %max3A_201 : vector<512x128xf32>
    %select_n3A_203 = arith.select %lt3A_200, %add3A_199, %select_n3A_178 : vector<512x128xi1>, vector<512x128xi32>
    %min3A_204 = arith.minimumf %slice3A_196, %min3A_179 : vector<512x128xf32>
    %slice3A_205 = vector.extract_strided_slice %max3A_195 {offsets = [0, 128], sizes = [512, 128], strides = [1, 1]} : vector<512x1024xf32> to vector<512x128xf32>
    %add3A_206 = arith.constant 2176 : i32
    %add3A_207 = vector.broadcast %add3A_206 : i32 to vector<512x128xi32>
    %add3A_208 = arith.addi %iota3A, %add3A_207 : vector<512x128xi32>
    %lt3A_209 = arith.cmpf olt, %slice3A_205, %min3A_204 : vector<512x128xf32>
    %max3A_210 = arith.maximumf %slice3A_205, %min3A_204 : vector<512x128xf32>
    %min3A_211 = arith.minimumf %min3A_202, %max3A_210 : vector<512x128xf32>
    %select_n3A_212 = arith.select %lt3A_209, %add3A_208, %select_n3A_203 : vector<512x128xi1>, vector<512x128xi32>
    %min3A_213 = arith.minimumf %slice3A_205, %min3A_204 : vector<512x128xf32>
    %slice3A_214 = vector.extract_strided_slice %max3A_195 {offsets = [0, 256], sizes = [512, 128], strides = [1, 1]} : vector<512x1024xf32> to vector<512x128xf32>
    %add3A_215 = arith.constant 2304 : i32
    %add3A_216 = vector.broadcast %add3A_215 : i32 to vector<512x128xi32>
    %add3A_217 = arith.addi %iota3A, %add3A_216 : vector<512x128xi32>
    %lt3A_218 = arith.cmpf olt, %slice3A_214, %min3A_213 : vector<512x128xf32>
    %max3A_219 = arith.maximumf %slice3A_214, %min3A_213 : vector<512x128xf32>
    %min3A_220 = arith.minimumf %min3A_211, %max3A_219 : vector<512x128xf32>
    %select_n3A_221 = arith.select %lt3A_218, %add3A_217, %select_n3A_212 : vector<512x128xi1>, vector<512x128xi32>
    %min3A_222 = arith.minimumf %slice3A_214, %min3A_213 : vector<512x128xf32>
    %slice3A_223 = vector.extract_strided_slice %max3A_195 {offsets = [0, 384], sizes = [512, 128], strides = [1, 1]} : vector<512x1024xf32> to vector<512x128xf32>
    %add3A_224 = arith.constant 2432 : i32
    %add3A_225 = vector.broadcast %add3A_224 : i32 to vector<512x128xi32>
    %add3A_226 = arith.addi %iota3A, %add3A_225 : vector<512x128xi32>
    %lt3A_227 = arith.cmpf olt, %slice3A_223, %min3A_222 : vector<512x128xf32>
    %max3A_228 = arith.maximumf %slice3A_223, %min3A_222 : vector<512x128xf32>
    %min3A_229 = arith.minimumf %min3A_220, %max3A_228 : vector<512x128xf32>
    %select_n3A_230 = arith.select %lt3A_227, %add3A_226, %select_n3A_221 : vector<512x128xi1>, vector<512x128xi32>
    %min3A_231 = arith.minimumf %slice3A_223, %min3A_222 : vector<512x128xf32>
    %slice3A_232 = vector.extract_strided_slice %max3A_195 {offsets = [0, 512], sizes = [512, 128], strides = [1, 1]} : vector<512x1024xf32> to vector<512x128xf32>
    %add3A_233 = arith.constant 2560 : i32
    %add3A_234 = vector.broadcast %add3A_233 : i32 to vector<512x128xi32>
    %add3A_235 = arith.addi %iota3A, %add3A_234 : vector<512x128xi32>
    %lt3A_236 = arith.cmpf olt, %slice3A_232, %min3A_231 : vector<512x128xf32>
    %max3A_237 = arith.maximumf %slice3A_232, %min3A_231 : vector<512x128xf32>
    %min3A_238 = arith.minimumf %min3A_229, %max3A_237 : vector<512x128xf32>
    %select_n3A_239 = arith.select %lt3A_236, %add3A_235, %select_n3A_230 : vector<512x128xi1>, vector<512x128xi32>
    %min3A_240 = arith.minimumf %slice3A_232, %min3A_231 : vector<512x128xf32>
    %slice3A_241 = vector.extract_strided_slice %max3A_195 {offsets = [0, 640], sizes = [512, 128], strides = [1, 1]} : vector<512x1024xf32> to vector<512x128xf32>
    %add3A_242 = arith.constant 2688 : i32
    %add3A_243 = vector.broadcast %add3A_242 : i32 to vector<512x128xi32>
    %add3A_244 = arith.addi %iota3A, %add3A_243 : vector<512x128xi32>
    %lt3A_245 = arith.cmpf olt, %slice3A_241, %min3A_240 : vector<512x128xf32>
    %max3A_246 = arith.maximumf %slice3A_241, %min3A_240 : vector<512x128xf32>
    %min3A_247 = arith.minimumf %min3A_238, %max3A_246 : vector<512x128xf32>
    %select_n3A_248 = arith.select %lt3A_245, %add3A_244, %select_n3A_239 : vector<512x128xi1>, vector<512x128xi32>
    %min3A_249 = arith.minimumf %slice3A_241, %min3A_240 : vector<512x128xf32>
    %slice3A_250 = vector.extract_strided_slice %max3A_195 {offsets = [0, 768], sizes = [512, 128], strides = [1, 1]} : vector<512x1024xf32> to vector<512x128xf32>
    %add3A_251 = arith.constant 2816 : i32
    %add3A_252 = vector.broadcast %add3A_251 : i32 to vector<512x128xi32>
    %add3A_253 = arith.addi %iota3A, %add3A_252 : vector<512x128xi32>
    %lt3A_254 = arith.cmpf olt, %slice3A_250, %min3A_249 : vector<512x128xf32>
    %max3A_255 = arith.maximumf %slice3A_250, %min3A_249 : vector<512x128xf32>
    %min3A_256 = arith.minimumf %min3A_247, %max3A_255 : vector<512x128xf32>
    %select_n3A_257 = arith.select %lt3A_254, %add3A_253, %select_n3A_248 : vector<512x128xi1>, vector<512x128xi32>
    %min3A_258 = arith.minimumf %slice3A_250, %min3A_249 : vector<512x128xf32>
    %slice3A_259 = vector.extract_strided_slice %max3A_195 {offsets = [0, 896], sizes = [512, 128], strides = [1, 1]} : vector<512x1024xf32> to vector<512x128xf32>
    %add3A_260 = arith.constant 2944 : i32
    %add3A_261 = vector.broadcast %add3A_260 : i32 to vector<512x128xi32>
    %add3A_262 = arith.addi %iota3A, %add3A_261 : vector<512x128xi32>
    %lt3A_263 = arith.cmpf olt, %slice3A_259, %min3A_258 : vector<512x128xf32>
    %max3A_264 = arith.maximumf %slice3A_259, %min3A_258 : vector<512x128xf32>
    %min3A_265 = arith.minimumf %min3A_256, %max3A_264 : vector<512x128xf32>
    %select_n3A_266 = arith.select %lt3A_263, %add3A_262, %select_n3A_257 : vector<512x128xi1>, vector<512x128xi32>
    %min3A_267 = arith.minimumf %slice3A_259, %min3A_258 : vector<512x128xf32>
    %get3A_268 = arith.constant 3072 : index
    %get3A_269 = arith.constant 0 : index
    %get3A_270 = vector.load %arg2[%get3A_268, %get3A_269] : memref<8192x64xf32, #tpu.memory_space<vmem>>, vector<1024x64xf32>
    %mul3A_271 = arith.mulf %get3A_270, %get3A_270 : vector<1024x64xf32>
    %reduce_sum3A_272 = arith.constant dense<0.000000e+00> : vector<1024xf32>
    %reduce_sum3A_273 = vector.multi_reduction <add>, %mul3A_271, %reduce_sum3A_272 [1] : vector<1024x64xf32> to vector<1024xf32>
    %reshape3A_274 = vector.shape_cast %reduce_sum3A_273 : vector<1024xf32> to vector<1x1024xf32>
    %dot_general3A_275 = arith.constant dense<0.000000e+00> : vector<512x1024xf32>
    %dot_general3A_276 = tpu.matmul %mul3A_5, %get3A_270, %dot_general3A_275 {dimension_numbers = #tpu.dot_dimension_numbers<[1], [1], [0], [0], [0, 0, 1, 0], [], []>, transpose_lhs_hint = false} : vector<512x64xf32>, vector<1024x64xf32>, vector<512x1024xf32> -> vector<512x1024xf32>
    %add3A_277 = vector.broadcast %broadcast_in_dim3A : vector<512x1xf32> to vector<512x1024xf32>
    %add3A_278 = vector.broadcast %reshape3A_274 : vector<1x1024xf32> to vector<512x1024xf32>
    %add3A_279 = arith.addf %add3A_277, %add3A_278 : vector<512x1024xf32>
    %add3A_280 = arith.addf %add3A_279, %dot_general3A_276 : vector<512x1024xf32>
    %max3A_281 = arith.constant 0.000000e+00 : f32
    %max3A_282 = vector.broadcast %max3A_281 : f32 to vector<512x1024xf32>
    %max3A_283 = arith.maximumf %add3A_280, %max3A_282 : vector<512x1024xf32>
    %slice3A_284 = vector.extract_strided_slice %max3A_283 {offsets = [0, 0], sizes = [512, 128], strides = [1, 1]} : vector<512x1024xf32> to vector<512x128xf32>
    %add3A_285 = arith.constant 3072 : i32
    %add3A_286 = vector.broadcast %add3A_285 : i32 to vector<512x128xi32>
    %add3A_287 = arith.addi %iota3A, %add3A_286 : vector<512x128xi32>
    %lt3A_288 = arith.cmpf olt, %slice3A_284, %min3A_267 : vector<512x128xf32>
    %max3A_289 = arith.maximumf %slice3A_284, %min3A_267 : vector<512x128xf32>
    %min3A_290 = arith.minimumf %min3A_265, %max3A_289 : vector<512x128xf32>
    %select_n3A_291 = arith.select %lt3A_288, %add3A_287, %select_n3A_266 : vector<512x128xi1>, vector<512x128xi32>
    %min3A_292 = arith.minimumf %slice3A_284, %min3A_267 : vector<512x128xf32>
    %slice3A_293 = vector.extract_strided_slice %max3A_283 {offsets = [0, 128], sizes = [512, 128], strides = [1, 1]} : vector<512x1024xf32> to vector<512x128xf32>
    %add3A_294 = arith.constant 3200 : i32
    %add3A_295 = vector.broadcast %add3A_294 : i32 to vector<512x128xi32>
    %add3A_296 = arith.addi %iota3A, %add3A_295 : vector<512x128xi32>
    %lt3A_297 = arith.cmpf olt, %slice3A_293, %min3A_292 : vector<512x128xf32>
    %max3A_298 = arith.maximumf %slice3A_293, %min3A_292 : vector<512x128xf32>
    %min3A_299 = arith.minimumf %min3A_290, %max3A_298 : vector<512x128xf32>
    %select_n3A_300 = arith.select %lt3A_297, %add3A_296, %select_n3A_291 : vector<512x128xi1>, vector<512x128xi32>
    %min3A_301 = arith.minimumf %slice3A_293, %min3A_292 : vector<512x128xf32>
    %slice3A_302 = vector.extract_strided_slice %max3A_283 {offsets = [0, 256], sizes = [512, 128], strides = [1, 1]} : vector<512x1024xf32> to vector<512x128xf32>
    %add3A_303 = arith.constant 3328 : i32
    %add3A_304 = vector.broadcast %add3A_303 : i32 to vector<512x128xi32>
    %add3A_305 = arith.addi %iota3A, %add3A_304 : vector<512x128xi32>
    %lt3A_306 = arith.cmpf olt, %slice3A_302, %min3A_301 : vector<512x128xf32>
    %max3A_307 = arith.maximumf %slice3A_302, %min3A_301 : vector<512x128xf32>
    %min3A_308 = arith.minimumf %min3A_299, %max3A_307 : vector<512x128xf32>
    %select_n3A_309 = arith.select %lt3A_306, %add3A_305, %select_n3A_300 : vector<512x128xi1>, vector<512x128xi32>
    %min3A_310 = arith.minimumf %slice3A_302, %min3A_301 : vector<512x128xf32>
    %slice3A_311 = vector.extract_strided_slice %max3A_283 {offsets = [0, 384], sizes = [512, 128], strides = [1, 1]} : vector<512x1024xf32> to vector<512x128xf32>
    %add3A_312 = arith.constant 3456 : i32
    %add3A_313 = vector.broadcast %add3A_312 : i32 to vector<512x128xi32>
    %add3A_314 = arith.addi %iota3A, %add3A_313 : vector<512x128xi32>
    %lt3A_315 = arith.cmpf olt, %slice3A_311, %min3A_310 : vector<512x128xf32>
    %max3A_316 = arith.maximumf %slice3A_311, %min3A_310 : vector<512x128xf32>
    %min3A_317 = arith.minimumf %min3A_308, %max3A_316 : vector<512x128xf32>
    %select_n3A_318 = arith.select %lt3A_315, %add3A_314, %select_n3A_309 : vector<512x128xi1>, vector<512x128xi32>
    %min3A_319 = arith.minimumf %slice3A_311, %min3A_310 : vector<512x128xf32>
    %slice3A_320 = vector.extract_strided_slice %max3A_283 {offsets = [0, 512], sizes = [512, 128], strides = [1, 1]} : vector<512x1024xf32> to vector<512x128xf32>
    %add3A_321 = arith.constant 3584 : i32
    %add3A_322 = vector.broadcast %add3A_321 : i32 to vector<512x128xi32>
    %add3A_323 = arith.addi %iota3A, %add3A_322 : vector<512x128xi32>
    %lt3A_324 = arith.cmpf olt, %slice3A_320, %min3A_319 : vector<512x128xf32>
    %max3A_325 = arith.maximumf %slice3A_320, %min3A_319 : vector<512x128xf32>
    %min3A_326 = arith.minimumf %min3A_317, %max3A_325 : vector<512x128xf32>
    %select_n3A_327 = arith.select %lt3A_324, %add3A_323, %select_n3A_318 : vector<512x128xi1>, vector<512x128xi32>
    %min3A_328 = arith.minimumf %slice3A_320, %min3A_319 : vector<512x128xf32>
    %slice3A_329 = vector.extract_strided_slice %max3A_283 {offsets = [0, 640], sizes = [512, 128], strides = [1, 1]} : vector<512x1024xf32> to vector<512x128xf32>
    %add3A_330 = arith.constant 3712 : i32
    %add3A_331 = vector.broadcast %add3A_330 : i32 to vector<512x128xi32>
    %add3A_332 = arith.addi %iota3A, %add3A_331 : vector<512x128xi32>
    %lt3A_333 = arith.cmpf olt, %slice3A_329, %min3A_328 : vector<512x128xf32>
    %max3A_334 = arith.maximumf %slice3A_329, %min3A_328 : vector<512x128xf32>
    %min3A_335 = arith.minimumf %min3A_326, %max3A_334 : vector<512x128xf32>
    %select_n3A_336 = arith.select %lt3A_333, %add3A_332, %select_n3A_327 : vector<512x128xi1>, vector<512x128xi32>
    %min3A_337 = arith.minimumf %slice3A_329, %min3A_328 : vector<512x128xf32>
    %slice3A_338 = vector.extract_strided_slice %max3A_283 {offsets = [0, 768], sizes = [512, 128], strides = [1, 1]} : vector<512x1024xf32> to vector<512x128xf32>
    %add3A_339 = arith.constant 3840 : i32
    %add3A_340 = vector.broadcast %add3A_339 : i32 to vector<512x128xi32>
    %add3A_341 = arith.addi %iota3A, %add3A_340 : vector<512x128xi32>
    %lt3A_342 = arith.cmpf olt, %slice3A_338, %min3A_337 : vector<512x128xf32>
    %max3A_343 = arith.maximumf %slice3A_338, %min3A_337 : vector<512x128xf32>
    %min3A_344 = arith.minimumf %min3A_335, %max3A_343 : vector<512x128xf32>
    %select_n3A_345 = arith.select %lt3A_342, %add3A_341, %select_n3A_336 : vector<512x128xi1>, vector<512x128xi32>
    %min3A_346 = arith.minimumf %slice3A_338, %min3A_337 : vector<512x128xf32>
    %slice3A_347 = vector.extract_strided_slice %max3A_283 {offsets = [0, 896], sizes = [512, 128], strides = [1, 1]} : vector<512x1024xf32> to vector<512x128xf32>
    %add3A_348 = arith.constant 3968 : i32
    %add3A_349 = vector.broadcast %add3A_348 : i32 to vector<512x128xi32>
    %add3A_350 = arith.addi %iota3A, %add3A_349 : vector<512x128xi32>
    %lt3A_351 = arith.cmpf olt, %slice3A_347, %min3A_346 : vector<512x128xf32>
    %max3A_352 = arith.maximumf %slice3A_347, %min3A_346 : vector<512x128xf32>
    %min3A_353 = arith.minimumf %min3A_344, %max3A_352 : vector<512x128xf32>
    %select_n3A_354 = arith.select %lt3A_351, %add3A_350, %select_n3A_345 : vector<512x128xi1>, vector<512x128xi32>
    %min3A_355 = arith.minimumf %slice3A_347, %min3A_346 : vector<512x128xf32>
    %get3A_356 = arith.constant 4096 : index
    %get3A_357 = arith.constant 0 : index
    %get3A_358 = vector.load %arg2[%get3A_356, %get3A_357] : memref<8192x64xf32, #tpu.memory_space<vmem>>, vector<1024x64xf32>
    %mul3A_359 = arith.mulf %get3A_358, %get3A_358 : vector<1024x64xf32>
    %reduce_sum3A_360 = arith.constant dense<0.000000e+00> : vector<1024xf32>
    %reduce_sum3A_361 = vector.multi_reduction <add>, %mul3A_359, %reduce_sum3A_360 [1] : vector<1024x64xf32> to vector<1024xf32>
    %reshape3A_362 = vector.shape_cast %reduce_sum3A_361 : vector<1024xf32> to vector<1x1024xf32>
    %dot_general3A_363 = arith.constant dense<0.000000e+00> : vector<512x1024xf32>
    %dot_general3A_364 = tpu.matmul %mul3A_5, %get3A_358, %dot_general3A_363 {dimension_numbers = #tpu.dot_dimension_numbers<[1], [1], [0], [0], [0, 0, 1, 0], [], []>, transpose_lhs_hint = false} : vector<512x64xf32>, vector<1024x64xf32>, vector<512x1024xf32> -> vector<512x1024xf32>
    %add3A_365 = vector.broadcast %broadcast_in_dim3A : vector<512x1xf32> to vector<512x1024xf32>
    %add3A_366 = vector.broadcast %reshape3A_362 : vector<1x1024xf32> to vector<512x1024xf32>
    %add3A_367 = arith.addf %add3A_365, %add3A_366 : vector<512x1024xf32>
    %add3A_368 = arith.addf %add3A_367, %dot_general3A_364 : vector<512x1024xf32>
    %max3A_369 = arith.constant 0.000000e+00 : f32
    %max3A_370 = vector.broadcast %max3A_369 : f32 to vector<512x1024xf32>
    %max3A_371 = arith.maximumf %add3A_368, %max3A_370 : vector<512x1024xf32>
    %slice3A_372 = vector.extract_strided_slice %max3A_371 {offsets = [0, 0], sizes = [512, 128], strides = [1, 1]} : vector<512x1024xf32> to vector<512x128xf32>
    %add3A_373 = arith.constant 4096 : i32
    %add3A_374 = vector.broadcast %add3A_373 : i32 to vector<512x128xi32>
    %add3A_375 = arith.addi %iota3A, %add3A_374 : vector<512x128xi32>
    %lt3A_376 = arith.cmpf olt, %slice3A_372, %min3A_355 : vector<512x128xf32>
    %max3A_377 = arith.maximumf %slice3A_372, %min3A_355 : vector<512x128xf32>
    %min3A_378 = arith.minimumf %min3A_353, %max3A_377 : vector<512x128xf32>
    %select_n3A_379 = arith.select %lt3A_376, %add3A_375, %select_n3A_354 : vector<512x128xi1>, vector<512x128xi32>
    %min3A_380 = arith.minimumf %slice3A_372, %min3A_355 : vector<512x128xf32>
    %slice3A_381 = vector.extract_strided_slice %max3A_371 {offsets = [0, 128], sizes = [512, 128], strides = [1, 1]} : vector<512x1024xf32> to vector<512x128xf32>
    %add3A_382 = arith.constant 4224 : i32
    %add3A_383 = vector.broadcast %add3A_382 : i32 to vector<512x128xi32>
    %add3A_384 = arith.addi %iota3A, %add3A_383 : vector<512x128xi32>
    %lt3A_385 = arith.cmpf olt, %slice3A_381, %min3A_380 : vector<512x128xf32>
    %max3A_386 = arith.maximumf %slice3A_381, %min3A_380 : vector<512x128xf32>
    %min3A_387 = arith.minimumf %min3A_378, %max3A_386 : vector<512x128xf32>
    %select_n3A_388 = arith.select %lt3A_385, %add3A_384, %select_n3A_379 : vector<512x128xi1>, vector<512x128xi32>
    %min3A_389 = arith.minimumf %slice3A_381, %min3A_380 : vector<512x128xf32>
    %slice3A_390 = vector.extract_strided_slice %max3A_371 {offsets = [0, 256], sizes = [512, 128], strides = [1, 1]} : vector<512x1024xf32> to vector<512x128xf32>
    %add3A_391 = arith.constant 4352 : i32
    %add3A_392 = vector.broadcast %add3A_391 : i32 to vector<512x128xi32>
    %add3A_393 = arith.addi %iota3A, %add3A_392 : vector<512x128xi32>
    %lt3A_394 = arith.cmpf olt, %slice3A_390, %min3A_389 : vector<512x128xf32>
    %max3A_395 = arith.maximumf %slice3A_390, %min3A_389 : vector<512x128xf32>
    %min3A_396 = arith.minimumf %min3A_387, %max3A_395 : vector<512x128xf32>
    %select_n3A_397 = arith.select %lt3A_394, %add3A_393, %select_n3A_388 : vector<512x128xi1>, vector<512x128xi32>
    %min3A_398 = arith.minimumf %slice3A_390, %min3A_389 : vector<512x128xf32>
    %slice3A_399 = vector.extract_strided_slice %max3A_371 {offsets = [0, 384], sizes = [512, 128], strides = [1, 1]} : vector<512x1024xf32> to vector<512x128xf32>
    %add3A_400 = arith.constant 4480 : i32
    %add3A_401 = vector.broadcast %add3A_400 : i32 to vector<512x128xi32>
    %add3A_402 = arith.addi %iota3A, %add3A_401 : vector<512x128xi32>
    %lt3A_403 = arith.cmpf olt, %slice3A_399, %min3A_398 : vector<512x128xf32>
    %max3A_404 = arith.maximumf %slice3A_399, %min3A_398 : vector<512x128xf32>
    %min3A_405 = arith.minimumf %min3A_396, %max3A_404 : vector<512x128xf32>
    %select_n3A_406 = arith.select %lt3A_403, %add3A_402, %select_n3A_397 : vector<512x128xi1>, vector<512x128xi32>
    %min3A_407 = arith.minimumf %slice3A_399, %min3A_398 : vector<512x128xf32>
    %slice3A_408 = vector.extract_strided_slice %max3A_371 {offsets = [0, 512], sizes = [512, 128], strides = [1, 1]} : vector<512x1024xf32> to vector<512x128xf32>
    %add3A_409 = arith.constant 4608 : i32
    %add3A_410 = vector.broadcast %add3A_409 : i32 to vector<512x128xi32>
    %add3A_411 = arith.addi %iota3A, %add3A_410 : vector<512x128xi32>
    %lt3A_412 = arith.cmpf olt, %slice3A_408, %min3A_407 : vector<512x128xf32>
    %max3A_413 = arith.maximumf %slice3A_408, %min3A_407 : vector<512x128xf32>
    %min3A_414 = arith.minimumf %min3A_405, %max3A_413 : vector<512x128xf32>
    %select_n3A_415 = arith.select %lt3A_412, %add3A_411, %select_n3A_406 : vector<512x128xi1>, vector<512x128xi32>
    %min3A_416 = arith.minimumf %slice3A_408, %min3A_407 : vector<512x128xf32>
    %slice3A_417 = vector.extract_strided_slice %max3A_371 {offsets = [0, 640], sizes = [512, 128], strides = [1, 1]} : vector<512x1024xf32> to vector<512x128xf32>
    %add3A_418 = arith.constant 4736 : i32
    %add3A_419 = vector.broadcast %add3A_418 : i32 to vector<512x128xi32>
    %add3A_420 = arith.addi %iota3A, %add3A_419 : vector<512x128xi32>
    %lt3A_421 = arith.cmpf olt, %slice3A_417, %min3A_416 : vector<512x128xf32>
    %max3A_422 = arith.maximumf %slice3A_417, %min3A_416 : vector<512x128xf32>
    %min3A_423 = arith.minimumf %min3A_414, %max3A_422 : vector<512x128xf32>
    %select_n3A_424 = arith.select %lt3A_421, %add3A_420, %select_n3A_415 : vector<512x128xi1>, vector<512x128xi32>
    %min3A_425 = arith.minimumf %slice3A_417, %min3A_416 : vector<512x128xf32>
    %slice3A_426 = vector.extract_strided_slice %max3A_371 {offsets = [0, 768], sizes = [512, 128], strides = [1, 1]} : vector<512x1024xf32> to vector<512x128xf32>
    %add3A_427 = arith.constant 4864 : i32
    %add3A_428 = vector.broadcast %add3A_427 : i32 to vector<512x128xi32>
    %add3A_429 = arith.addi %iota3A, %add3A_428 : vector<512x128xi32>
    %lt3A_430 = arith.cmpf olt, %slice3A_426, %min3A_425 : vector<512x128xf32>
    %max3A_431 = arith.maximumf %slice3A_426, %min3A_425 : vector<512x128xf32>
    %min3A_432 = arith.minimumf %min3A_423, %max3A_431 : vector<512x128xf32>
    %select_n3A_433 = arith.select %lt3A_430, %add3A_429, %select_n3A_424 : vector<512x128xi1>, vector<512x128xi32>
    %min3A_434 = arith.minimumf %slice3A_426, %min3A_425 : vector<512x128xf32>
    %slice3A_435 = vector.extract_strided_slice %max3A_371 {offsets = [0, 896], sizes = [512, 128], strides = [1, 1]} : vector<512x1024xf32> to vector<512x128xf32>
    %add3A_436 = arith.constant 4992 : i32
    %add3A_437 = vector.broadcast %add3A_436 : i32 to vector<512x128xi32>
    %add3A_438 = arith.addi %iota3A, %add3A_437 : vector<512x128xi32>
    %lt3A_439 = arith.cmpf olt, %slice3A_435, %min3A_434 : vector<512x128xf32>
    %max3A_440 = arith.maximumf %slice3A_435, %min3A_434 : vector<512x128xf32>
    %min3A_441 = arith.minimumf %min3A_432, %max3A_440 : vector<512x128xf32>
    %select_n3A_442 = arith.select %lt3A_439, %add3A_438, %select_n3A_433 : vector<512x128xi1>, vector<512x128xi32>
    %min3A_443 = arith.minimumf %slice3A_435, %min3A_434 : vector<512x128xf32>
    %get3A_444 = arith.constant 5120 : index
    %get3A_445 = arith.constant 0 : index
    %get3A_446 = vector.load %arg2[%get3A_444, %get3A_445] : memref<8192x64xf32, #tpu.memory_space<vmem>>, vector<1024x64xf32>
    %mul3A_447 = arith.mulf %get3A_446, %get3A_446 : vector<1024x64xf32>
    %reduce_sum3A_448 = arith.constant dense<0.000000e+00> : vector<1024xf32>
    %reduce_sum3A_449 = vector.multi_reduction <add>, %mul3A_447, %reduce_sum3A_448 [1] : vector<1024x64xf32> to vector<1024xf32>
    %reshape3A_450 = vector.shape_cast %reduce_sum3A_449 : vector<1024xf32> to vector<1x1024xf32>
    %dot_general3A_451 = arith.constant dense<0.000000e+00> : vector<512x1024xf32>
    %dot_general3A_452 = tpu.matmul %mul3A_5, %get3A_446, %dot_general3A_451 {dimension_numbers = #tpu.dot_dimension_numbers<[1], [1], [0], [0], [0, 0, 1, 0], [], []>, transpose_lhs_hint = false} : vector<512x64xf32>, vector<1024x64xf32>, vector<512x1024xf32> -> vector<512x1024xf32>
    %add3A_453 = vector.broadcast %broadcast_in_dim3A : vector<512x1xf32> to vector<512x1024xf32>
    %add3A_454 = vector.broadcast %reshape3A_450 : vector<1x1024xf32> to vector<512x1024xf32>
    %add3A_455 = arith.addf %add3A_453, %add3A_454 : vector<512x1024xf32>
    %add3A_456 = arith.addf %add3A_455, %dot_general3A_452 : vector<512x1024xf32>
    %max3A_457 = arith.constant 0.000000e+00 : f32
    %max3A_458 = vector.broadcast %max3A_457 : f32 to vector<512x1024xf32>
    %max3A_459 = arith.maximumf %add3A_456, %max3A_458 : vector<512x1024xf32>
    %slice3A_460 = vector.extract_strided_slice %max3A_459 {offsets = [0, 0], sizes = [512, 128], strides = [1, 1]} : vector<512x1024xf32> to vector<512x128xf32>
    %add3A_461 = arith.constant 5120 : i32
    %add3A_462 = vector.broadcast %add3A_461 : i32 to vector<512x128xi32>
    %add3A_463 = arith.addi %iota3A, %add3A_462 : vector<512x128xi32>
    %lt3A_464 = arith.cmpf olt, %slice3A_460, %min3A_443 : vector<512x128xf32>
    %max3A_465 = arith.maximumf %slice3A_460, %min3A_443 : vector<512x128xf32>
    %min3A_466 = arith.minimumf %min3A_441, %max3A_465 : vector<512x128xf32>
    %select_n3A_467 = arith.select %lt3A_464, %add3A_463, %select_n3A_442 : vector<512x128xi1>, vector<512x128xi32>
    %min3A_468 = arith.minimumf %slice3A_460, %min3A_443 : vector<512x128xf32>
    %slice3A_469 = vector.extract_strided_slice %max3A_459 {offsets = [0, 128], sizes = [512, 128], strides = [1, 1]} : vector<512x1024xf32> to vector<512x128xf32>
    %add3A_470 = arith.constant 5248 : i32
    %add3A_471 = vector.broadcast %add3A_470 : i32 to vector<512x128xi32>
    %add3A_472 = arith.addi %iota3A, %add3A_471 : vector<512x128xi32>
    %lt3A_473 = arith.cmpf olt, %slice3A_469, %min3A_468 : vector<512x128xf32>
    %max3A_474 = arith.maximumf %slice3A_469, %min3A_468 : vector<512x128xf32>
    %min3A_475 = arith.minimumf %min3A_466, %max3A_474 : vector<512x128xf32>
    %select_n3A_476 = arith.select %lt3A_473, %add3A_472, %select_n3A_467 : vector<512x128xi1>, vector<512x128xi32>
    %min3A_477 = arith.minimumf %slice3A_469, %min3A_468 : vector<512x128xf32>
    %slice3A_478 = vector.extract_strided_slice %max3A_459 {offsets = [0, 256], sizes = [512, 128], strides = [1, 1]} : vector<512x1024xf32> to vector<512x128xf32>
    %add3A_479 = arith.constant 5376 : i32
    %add3A_480 = vector.broadcast %add3A_479 : i32 to vector<512x128xi32>
    %add3A_481 = arith.addi %iota3A, %add3A_480 : vector<512x128xi32>
    %lt3A_482 = arith.cmpf olt, %slice3A_478, %min3A_477 : vector<512x128xf32>
    %max3A_483 = arith.maximumf %slice3A_478, %min3A_477 : vector<512x128xf32>
    %min3A_484 = arith.minimumf %min3A_475, %max3A_483 : vector<512x128xf32>
    %select_n3A_485 = arith.select %lt3A_482, %add3A_481, %select_n3A_476 : vector<512x128xi1>, vector<512x128xi32>
    %min3A_486 = arith.minimumf %slice3A_478, %min3A_477 : vector<512x128xf32>
    %slice3A_487 = vector.extract_strided_slice %max3A_459 {offsets = [0, 384], sizes = [512, 128], strides = [1, 1]} : vector<512x1024xf32> to vector<512x128xf32>
    %add3A_488 = arith.constant 5504 : i32
    %add3A_489 = vector.broadcast %add3A_488 : i32 to vector<512x128xi32>
    %add3A_490 = arith.addi %iota3A, %add3A_489 : vector<512x128xi32>
    %lt3A_491 = arith.cmpf olt, %slice3A_487, %min3A_486 : vector<512x128xf32>
    %max3A_492 = arith.maximumf %slice3A_487, %min3A_486 : vector<512x128xf32>
    %min3A_493 = arith.minimumf %min3A_484, %max3A_492 : vector<512x128xf32>
    %select_n3A_494 = arith.select %lt3A_491, %add3A_490, %select_n3A_485 : vector<512x128xi1>, vector<512x128xi32>
    %min3A_495 = arith.minimumf %slice3A_487, %min3A_486 : vector<512x128xf32>
    %slice3A_496 = vector.extract_strided_slice %max3A_459 {offsets = [0, 512], sizes = [512, 128], strides = [1, 1]} : vector<512x1024xf32> to vector<512x128xf32>
    %add3A_497 = arith.constant 5632 : i32
    %add3A_498 = vector.broadcast %add3A_497 : i32 to vector<512x128xi32>
    %add3A_499 = arith.addi %iota3A, %add3A_498 : vector<512x128xi32>
    %lt3A_500 = arith.cmpf olt, %slice3A_496, %min3A_495 : vector<512x128xf32>
    %max3A_501 = arith.maximumf %slice3A_496, %min3A_495 : vector<512x128xf32>
    %min3A_502 = arith.minimumf %min3A_493, %max3A_501 : vector<512x128xf32>
    %select_n3A_503 = arith.select %lt3A_500, %add3A_499, %select_n3A_494 : vector<512x128xi1>, vector<512x128xi32>
    %min3A_504 = arith.minimumf %slice3A_496, %min3A_495 : vector<512x128xf32>
    %slice3A_505 = vector.extract_strided_slice %max3A_459 {offsets = [0, 640], sizes = [512, 128], strides = [1, 1]} : vector<512x1024xf32> to vector<512x128xf32>
    %add3A_506 = arith.constant 5760 : i32
    %add3A_507 = vector.broadcast %add3A_506 : i32 to vector<512x128xi32>
    %add3A_508 = arith.addi %iota3A, %add3A_507 : vector<512x128xi32>
    %lt3A_509 = arith.cmpf olt, %slice3A_505, %min3A_504 : vector<512x128xf32>
    %max3A_510 = arith.maximumf %slice3A_505, %min3A_504 : vector<512x128xf32>
    %min3A_511 = arith.minimumf %min3A_502, %max3A_510 : vector<512x128xf32>
    %select_n3A_512 = arith.select %lt3A_509, %add3A_508, %select_n3A_503 : vector<512x128xi1>, vector<512x128xi32>
    %min3A_513 = arith.minimumf %slice3A_505, %min3A_504 : vector<512x128xf32>
    %slice3A_514 = vector.extract_strided_slice %max3A_459 {offsets = [0, 768], sizes = [512, 128], strides = [1, 1]} : vector<512x1024xf32> to vector<512x128xf32>
    %add3A_515 = arith.constant 5888 : i32
    %add3A_516 = vector.broadcast %add3A_515 : i32 to vector<512x128xi32>
    %add3A_517 = arith.addi %iota3A, %add3A_516 : vector<512x128xi32>
    %lt3A_518 = arith.cmpf olt, %slice3A_514, %min3A_513 : vector<512x128xf32>
    %max3A_519 = arith.maximumf %slice3A_514, %min3A_513 : vector<512x128xf32>
    %min3A_520 = arith.minimumf %min3A_511, %max3A_519 : vector<512x128xf32>
    %select_n3A_521 = arith.select %lt3A_518, %add3A_517, %select_n3A_512 : vector<512x128xi1>, vector<512x128xi32>
    %min3A_522 = arith.minimumf %slice3A_514, %min3A_513 : vector<512x128xf32>
    %slice3A_523 = vector.extract_strided_slice %max3A_459 {offsets = [0, 896], sizes = [512, 128], strides = [1, 1]} : vector<512x1024xf32> to vector<512x128xf32>
    %add3A_524 = arith.constant 6016 : i32
    %add3A_525 = vector.broadcast %add3A_524 : i32 to vector<512x128xi32>
    %add3A_526 = arith.addi %iota3A, %add3A_525 : vector<512x128xi32>
    %lt3A_527 = arith.cmpf olt, %slice3A_523, %min3A_522 : vector<512x128xf32>
    %max3A_528 = arith.maximumf %slice3A_523, %min3A_522 : vector<512x128xf32>
    %min3A_529 = arith.minimumf %min3A_520, %max3A_528 : vector<512x128xf32>
    %select_n3A_530 = arith.select %lt3A_527, %add3A_526, %select_n3A_521 : vector<512x128xi1>, vector<512x128xi32>
    %min3A_531 = arith.minimumf %slice3A_523, %min3A_522 : vector<512x128xf32>
    %get3A_532 = arith.constant 6144 : index
    %get3A_533 = arith.constant 0 : index
    %get3A_534 = vector.load %arg2[%get3A_532, %get3A_533] : memref<8192x64xf32, #tpu.memory_space<vmem>>, vector<1024x64xf32>
    %mul3A_535 = arith.mulf %get3A_534, %get3A_534 : vector<1024x64xf32>
    %reduce_sum3A_536 = arith.constant dense<0.000000e+00> : vector<1024xf32>
    %reduce_sum3A_537 = vector.multi_reduction <add>, %mul3A_535, %reduce_sum3A_536 [1] : vector<1024x64xf32> to vector<1024xf32>
    %reshape3A_538 = vector.shape_cast %reduce_sum3A_537 : vector<1024xf32> to vector<1x1024xf32>
    %dot_general3A_539 = arith.constant dense<0.000000e+00> : vector<512x1024xf32>
    %dot_general3A_540 = tpu.matmul %mul3A_5, %get3A_534, %dot_general3A_539 {dimension_numbers = #tpu.dot_dimension_numbers<[1], [1], [0], [0], [0, 0, 1, 0], [], []>, transpose_lhs_hint = false} : vector<512x64xf32>, vector<1024x64xf32>, vector<512x1024xf32> -> vector<512x1024xf32>
    %add3A_541 = vector.broadcast %broadcast_in_dim3A : vector<512x1xf32> to vector<512x1024xf32>
    %add3A_542 = vector.broadcast %reshape3A_538 : vector<1x1024xf32> to vector<512x1024xf32>
    %add3A_543 = arith.addf %add3A_541, %add3A_542 : vector<512x1024xf32>
    %add3A_544 = arith.addf %add3A_543, %dot_general3A_540 : vector<512x1024xf32>
    %max3A_545 = arith.constant 0.000000e+00 : f32
    %max3A_546 = vector.broadcast %max3A_545 : f32 to vector<512x1024xf32>
    %max3A_547 = arith.maximumf %add3A_544, %max3A_546 : vector<512x1024xf32>
    %slice3A_548 = vector.extract_strided_slice %max3A_547 {offsets = [0, 0], sizes = [512, 128], strides = [1, 1]} : vector<512x1024xf32> to vector<512x128xf32>
    %add3A_549 = arith.constant 6144 : i32
    %add3A_550 = vector.broadcast %add3A_549 : i32 to vector<512x128xi32>
    %add3A_551 = arith.addi %iota3A, %add3A_550 : vector<512x128xi32>
    %lt3A_552 = arith.cmpf olt, %slice3A_548, %min3A_531 : vector<512x128xf32>
    %max3A_553 = arith.maximumf %slice3A_548, %min3A_531 : vector<512x128xf32>
    %min3A_554 = arith.minimumf %min3A_529, %max3A_553 : vector<512x128xf32>
    %select_n3A_555 = arith.select %lt3A_552, %add3A_551, %select_n3A_530 : vector<512x128xi1>, vector<512x128xi32>
    %min3A_556 = arith.minimumf %slice3A_548, %min3A_531 : vector<512x128xf32>
    %slice3A_557 = vector.extract_strided_slice %max3A_547 {offsets = [0, 128], sizes = [512, 128], strides = [1, 1]} : vector<512x1024xf32> to vector<512x128xf32>
    %add3A_558 = arith.constant 6272 : i32
    %add3A_559 = vector.broadcast %add3A_558 : i32 to vector<512x128xi32>
    %add3A_560 = arith.addi %iota3A, %add3A_559 : vector<512x128xi32>
    %lt3A_561 = arith.cmpf olt, %slice3A_557, %min3A_556 : vector<512x128xf32>
    %max3A_562 = arith.maximumf %slice3A_557, %min3A_556 : vector<512x128xf32>
    %min3A_563 = arith.minimumf %min3A_554, %max3A_562 : vector<512x128xf32>
    %select_n3A_564 = arith.select %lt3A_561, %add3A_560, %select_n3A_555 : vector<512x128xi1>, vector<512x128xi32>
    %min3A_565 = arith.minimumf %slice3A_557, %min3A_556 : vector<512x128xf32>
    %slice3A_566 = vector.extract_strided_slice %max3A_547 {offsets = [0, 256], sizes = [512, 128], strides = [1, 1]} : vector<512x1024xf32> to vector<512x128xf32>
    %add3A_567 = arith.constant 6400 : i32
    %add3A_568 = vector.broadcast %add3A_567 : i32 to vector<512x128xi32>
    %add3A_569 = arith.addi %iota3A, %add3A_568 : vector<512x128xi32>
    %lt3A_570 = arith.cmpf olt, %slice3A_566, %min3A_565 : vector<512x128xf32>
    %max3A_571 = arith.maximumf %slice3A_566, %min3A_565 : vector<512x128xf32>
    %min3A_572 = arith.minimumf %min3A_563, %max3A_571 : vector<512x128xf32>
    %select_n3A_573 = arith.select %lt3A_570, %add3A_569, %select_n3A_564 : vector<512x128xi1>, vector<512x128xi32>
    %min3A_574 = arith.minimumf %slice3A_566, %min3A_565 : vector<512x128xf32>
    %slice3A_575 = vector.extract_strided_slice %max3A_547 {offsets = [0, 384], sizes = [512, 128], strides = [1, 1]} : vector<512x1024xf32> to vector<512x128xf32>
    %add3A_576 = arith.constant 6528 : i32
    %add3A_577 = vector.broadcast %add3A_576 : i32 to vector<512x128xi32>
    %add3A_578 = arith.addi %iota3A, %add3A_577 : vector<512x128xi32>
    %lt3A_579 = arith.cmpf olt, %slice3A_575, %min3A_574 : vector<512x128xf32>
    %max3A_580 = arith.maximumf %slice3A_575, %min3A_574 : vector<512x128xf32>
    %min3A_581 = arith.minimumf %min3A_572, %max3A_580 : vector<512x128xf32>
    %select_n3A_582 = arith.select %lt3A_579, %add3A_578, %select_n3A_573 : vector<512x128xi1>, vector<512x128xi32>
    %min3A_583 = arith.minimumf %slice3A_575, %min3A_574 : vector<512x128xf32>
    %slice3A_584 = vector.extract_strided_slice %max3A_547 {offsets = [0, 512], sizes = [512, 128], strides = [1, 1]} : vector<512x1024xf32> to vector<512x128xf32>
    %add3A_585 = arith.constant 6656 : i32
    %add3A_586 = vector.broadcast %add3A_585 : i32 to vector<512x128xi32>
    %add3A_587 = arith.addi %iota3A, %add3A_586 : vector<512x128xi32>
    %lt3A_588 = arith.cmpf olt, %slice3A_584, %min3A_583 : vector<512x128xf32>
    %max3A_589 = arith.maximumf %slice3A_584, %min3A_583 : vector<512x128xf32>
    %min3A_590 = arith.minimumf %min3A_581, %max3A_589 : vector<512x128xf32>
    %select_n3A_591 = arith.select %lt3A_588, %add3A_587, %select_n3A_582 : vector<512x128xi1>, vector<512x128xi32>
    %min3A_592 = arith.minimumf %slice3A_584, %min3A_583 : vector<512x128xf32>
    %slice3A_593 = vector.extract_strided_slice %max3A_547 {offsets = [0, 640], sizes = [512, 128], strides = [1, 1]} : vector<512x1024xf32> to vector<512x128xf32>
    %add3A_594 = arith.constant 6784 : i32
    %add3A_595 = vector.broadcast %add3A_594 : i32 to vector<512x128xi32>
    %add3A_596 = arith.addi %iota3A, %add3A_595 : vector<512x128xi32>
    %lt3A_597 = arith.cmpf olt, %slice3A_593, %min3A_592 : vector<512x128xf32>
    %max3A_598 = arith.maximumf %slice3A_593, %min3A_592 : vector<512x128xf32>
    %min3A_599 = arith.minimumf %min3A_590, %max3A_598 : vector<512x128xf32>
    %select_n3A_600 = arith.select %lt3A_597, %add3A_596, %select_n3A_591 : vector<512x128xi1>, vector<512x128xi32>
    %min3A_601 = arith.minimumf %slice3A_593, %min3A_592 : vector<512x128xf32>
    %slice3A_602 = vector.extract_strided_slice %max3A_547 {offsets = [0, 768], sizes = [512, 128], strides = [1, 1]} : vector<512x1024xf32> to vector<512x128xf32>
    %add3A_603 = arith.constant 6912 : i32
    %add3A_604 = vector.broadcast %add3A_603 : i32 to vector<512x128xi32>
    %add3A_605 = arith.addi %iota3A, %add3A_604 : vector<512x128xi32>
    %lt3A_606 = arith.cmpf olt, %slice3A_602, %min3A_601 : vector<512x128xf32>
    %max3A_607 = arith.maximumf %slice3A_602, %min3A_601 : vector<512x128xf32>
    %min3A_608 = arith.minimumf %min3A_599, %max3A_607 : vector<512x128xf32>
    %select_n3A_609 = arith.select %lt3A_606, %add3A_605, %select_n3A_600 : vector<512x128xi1>, vector<512x128xi32>
    %min3A_610 = arith.minimumf %slice3A_602, %min3A_601 : vector<512x128xf32>
    %slice3A_611 = vector.extract_strided_slice %max3A_547 {offsets = [0, 896], sizes = [512, 128], strides = [1, 1]} : vector<512x1024xf32> to vector<512x128xf32>
    %add3A_612 = arith.constant 7040 : i32
    %add3A_613 = vector.broadcast %add3A_612 : i32 to vector<512x128xi32>
    %add3A_614 = arith.addi %iota3A, %add3A_613 : vector<512x128xi32>
    %lt3A_615 = arith.cmpf olt, %slice3A_611, %min3A_610 : vector<512x128xf32>
    %max3A_616 = arith.maximumf %slice3A_611, %min3A_610 : vector<512x128xf32>
    %min3A_617 = arith.minimumf %min3A_608, %max3A_616 : vector<512x128xf32>
    %select_n3A_618 = arith.select %lt3A_615, %add3A_614, %select_n3A_609 : vector<512x128xi1>, vector<512x128xi32>
    %min3A_619 = arith.minimumf %slice3A_611, %min3A_610 : vector<512x128xf32>
    %get3A_620 = arith.constant 7168 : index
    %get3A_621 = arith.constant 0 : index
    %get3A_622 = vector.load %arg2[%get3A_620, %get3A_621] : memref<8192x64xf32, #tpu.memory_space<vmem>>, vector<1024x64xf32>
    %mul3A_623 = arith.mulf %get3A_622, %get3A_622 : vector<1024x64xf32>
    %reduce_sum3A_624 = arith.constant dense<0.000000e+00> : vector<1024xf32>
    %reduce_sum3A_625 = vector.multi_reduction <add>, %mul3A_623, %reduce_sum3A_624 [1] : vector<1024x64xf32> to vector<1024xf32>
    %reshape3A_626 = vector.shape_cast %reduce_sum3A_625 : vector<1024xf32> to vector<1x1024xf32>
    %dot_general3A_627 = arith.constant dense<0.000000e+00> : vector<512x1024xf32>
    %dot_general3A_628 = tpu.matmul %mul3A_5, %get3A_622, %dot_general3A_627 {dimension_numbers = #tpu.dot_dimension_numbers<[1], [1], [0], [0], [0, 0, 1, 0], [], []>, transpose_lhs_hint = false} : vector<512x64xf32>, vector<1024x64xf32>, vector<512x1024xf32> -> vector<512x1024xf32>
    %add3A_629 = vector.broadcast %broadcast_in_dim3A : vector<512x1xf32> to vector<512x1024xf32>
    %add3A_630 = vector.broadcast %reshape3A_626 : vector<1x1024xf32> to vector<512x1024xf32>
    %add3A_631 = arith.addf %add3A_629, %add3A_630 : vector<512x1024xf32>
    %add3A_632 = arith.addf %add3A_631, %dot_general3A_628 : vector<512x1024xf32>
    %max3A_633 = arith.constant 0.000000e+00 : f32
    %max3A_634 = vector.broadcast %max3A_633 : f32 to vector<512x1024xf32>
    %max3A_635 = arith.maximumf %add3A_632, %max3A_634 : vector<512x1024xf32>
    %slice3A_636 = vector.extract_strided_slice %max3A_635 {offsets = [0, 0], sizes = [512, 128], strides = [1, 1]} : vector<512x1024xf32> to vector<512x128xf32>
    %add3A_637 = arith.constant 7168 : i32
    %add3A_638 = vector.broadcast %add3A_637 : i32 to vector<512x128xi32>
    %add3A_639 = arith.addi %iota3A, %add3A_638 : vector<512x128xi32>
    %lt3A_640 = arith.cmpf olt, %slice3A_636, %min3A_619 : vector<512x128xf32>
    %max3A_641 = arith.maximumf %slice3A_636, %min3A_619 : vector<512x128xf32>
    %min3A_642 = arith.minimumf %min3A_617, %max3A_641 : vector<512x128xf32>
    %select_n3A_643 = arith.select %lt3A_640, %add3A_639, %select_n3A_618 : vector<512x128xi1>, vector<512x128xi32>
    %min3A_644 = arith.minimumf %slice3A_636, %min3A_619 : vector<512x128xf32>
    %slice3A_645 = vector.extract_strided_slice %max3A_635 {offsets = [0, 128], sizes = [512, 128], strides = [1, 1]} : vector<512x1024xf32> to vector<512x128xf32>
    %add3A_646 = arith.constant 7296 : i32
    %add3A_647 = vector.broadcast %add3A_646 : i32 to vector<512x128xi32>
    %add3A_648 = arith.addi %iota3A, %add3A_647 : vector<512x128xi32>
    %lt3A_649 = arith.cmpf olt, %slice3A_645, %min3A_644 : vector<512x128xf32>
    %max3A_650 = arith.maximumf %slice3A_645, %min3A_644 : vector<512x128xf32>
    %min3A_651 = arith.minimumf %min3A_642, %max3A_650 : vector<512x128xf32>
    %select_n3A_652 = arith.select %lt3A_649, %add3A_648, %select_n3A_643 : vector<512x128xi1>, vector<512x128xi32>
    %min3A_653 = arith.minimumf %slice3A_645, %min3A_644 : vector<512x128xf32>
    %slice3A_654 = vector.extract_strided_slice %max3A_635 {offsets = [0, 256], sizes = [512, 128], strides = [1, 1]} : vector<512x1024xf32> to vector<512x128xf32>
    %add3A_655 = arith.constant 7424 : i32
    %add3A_656 = vector.broadcast %add3A_655 : i32 to vector<512x128xi32>
    %add3A_657 = arith.addi %iota3A, %add3A_656 : vector<512x128xi32>
    %lt3A_658 = arith.cmpf olt, %slice3A_654, %min3A_653 : vector<512x128xf32>
    %max3A_659 = arith.maximumf %slice3A_654, %min3A_653 : vector<512x128xf32>
    %min3A_660 = arith.minimumf %min3A_651, %max3A_659 : vector<512x128xf32>
    %select_n3A_661 = arith.select %lt3A_658, %add3A_657, %select_n3A_652 : vector<512x128xi1>, vector<512x128xi32>
    %min3A_662 = arith.minimumf %slice3A_654, %min3A_653 : vector<512x128xf32>
    %slice3A_663 = vector.extract_strided_slice %max3A_635 {offsets = [0, 384], sizes = [512, 128], strides = [1, 1]} : vector<512x1024xf32> to vector<512x128xf32>
    %add3A_664 = arith.constant 7552 : i32
    %add3A_665 = vector.broadcast %add3A_664 : i32 to vector<512x128xi32>
    %add3A_666 = arith.addi %iota3A, %add3A_665 : vector<512x128xi32>
    %lt3A_667 = arith.cmpf olt, %slice3A_663, %min3A_662 : vector<512x128xf32>
    %max3A_668 = arith.maximumf %slice3A_663, %min3A_662 : vector<512x128xf32>
    %min3A_669 = arith.minimumf %min3A_660, %max3A_668 : vector<512x128xf32>
    %select_n3A_670 = arith.select %lt3A_667, %add3A_666, %select_n3A_661 : vector<512x128xi1>, vector<512x128xi32>
    %min3A_671 = arith.minimumf %slice3A_663, %min3A_662 : vector<512x128xf32>
    %slice3A_672 = vector.extract_strided_slice %max3A_635 {offsets = [0, 512], sizes = [512, 128], strides = [1, 1]} : vector<512x1024xf32> to vector<512x128xf32>
    %add3A_673 = arith.constant 7680 : i32
    %add3A_674 = vector.broadcast %add3A_673 : i32 to vector<512x128xi32>
    %add3A_675 = arith.addi %iota3A, %add3A_674 : vector<512x128xi32>
    %lt3A_676 = arith.cmpf olt, %slice3A_672, %min3A_671 : vector<512x128xf32>
    %max3A_677 = arith.maximumf %slice3A_672, %min3A_671 : vector<512x128xf32>
    %min3A_678 = arith.minimumf %min3A_669, %max3A_677 : vector<512x128xf32>
    %select_n3A_679 = arith.select %lt3A_676, %add3A_675, %select_n3A_670 : vector<512x128xi1>, vector<512x128xi32>
    %min3A_680 = arith.minimumf %slice3A_672, %min3A_671 : vector<512x128xf32>
    %slice3A_681 = vector.extract_strided_slice %max3A_635 {offsets = [0, 640], sizes = [512, 128], strides = [1, 1]} : vector<512x1024xf32> to vector<512x128xf32>
    %add3A_682 = arith.constant 7808 : i32
    %add3A_683 = vector.broadcast %add3A_682 : i32 to vector<512x128xi32>
    %add3A_684 = arith.addi %iota3A, %add3A_683 : vector<512x128xi32>
    %lt3A_685 = arith.cmpf olt, %slice3A_681, %min3A_680 : vector<512x128xf32>
    %max3A_686 = arith.maximumf %slice3A_681, %min3A_680 : vector<512x128xf32>
    %min3A_687 = arith.minimumf %min3A_678, %max3A_686 : vector<512x128xf32>
    %select_n3A_688 = arith.select %lt3A_685, %add3A_684, %select_n3A_679 : vector<512x128xi1>, vector<512x128xi32>
    %min3A_689 = arith.minimumf %slice3A_681, %min3A_680 : vector<512x128xf32>
    %slice3A_690 = vector.extract_strided_slice %max3A_635 {offsets = [0, 768], sizes = [512, 128], strides = [1, 1]} : vector<512x1024xf32> to vector<512x128xf32>
    %add3A_691 = arith.constant 7936 : i32
    %add3A_692 = vector.broadcast %add3A_691 : i32 to vector<512x128xi32>
    %add3A_693 = arith.addi %iota3A, %add3A_692 : vector<512x128xi32>
    %lt3A_694 = arith.cmpf olt, %slice3A_690, %min3A_689 : vector<512x128xf32>
    %max3A_695 = arith.maximumf %slice3A_690, %min3A_689 : vector<512x128xf32>
    %min3A_696 = arith.minimumf %min3A_687, %max3A_695 : vector<512x128xf32>
    %select_n3A_697 = arith.select %lt3A_694, %add3A_693, %select_n3A_688 : vector<512x128xi1>, vector<512x128xi32>
    %min3A_698 = arith.minimumf %slice3A_690, %min3A_689 : vector<512x128xf32>
    %slice3A_699 = vector.extract_strided_slice %max3A_635 {offsets = [0, 896], sizes = [512, 128], strides = [1, 1]} : vector<512x1024xf32> to vector<512x128xf32>
    %add3A_700 = arith.constant 8064 : i32
    %add3A_701 = vector.broadcast %add3A_700 : i32 to vector<512x128xi32>
    %add3A_702 = arith.addi %iota3A, %add3A_701 : vector<512x128xi32>
    %lt3A_703 = arith.cmpf olt, %slice3A_699, %min3A_698 : vector<512x128xf32>
    %max3A_704 = arith.maximumf %slice3A_699, %min3A_698 : vector<512x128xf32>
    %min3A_705 = arith.minimumf %min3A_696, %max3A_704 : vector<512x128xf32>
    %select_n3A_706 = arith.select %lt3A_703, %add3A_702, %select_n3A_697 : vector<512x128xi1>, vector<512x128xi32>
    %min3A_707 = arith.minimumf %slice3A_699, %min3A_698 : vector<512x128xf32>
    %reduce_min3A = arith.constant dense<0x7F800000> : vector<512xf32>
    %reduce_min3A_708 = vector.multi_reduction <minimumf>, %min3A_707, %reduce_min3A [1] : vector<512x128xf32> to vector<512xf32>
    %broadcast_in_dim3A_709 = vector.shape_cast %reduce_min3A_708 : vector<512xf32> to vector<512x1xf32>
    %eq3A = vector.broadcast %broadcast_in_dim3A_709 : vector<512x1xf32> to vector<512x128xf32>
    %eq3A_710 = arith.cmpf oeq, %min3A_707, %eq3A : vector<512x128xf32>
    %jit3A = arith.constant 8192 : i32
    %broadcast_in_dim3A_711 = vector.broadcast %jit3A : i32 to vector<512x128xi32>
    %select_n3A_712 = arith.select %eq3A_710, %select_n3A_706, %broadcast_in_dim3A_711 : vector<512x128xi1>, vector<512x128xi32>
    %reduce_min3A_713 = arith.constant dense<2147483647> : vector<512xi32>
    %reduce_min3A_714 = vector.multi_reduction <minsi>, %select_n3A_712, %reduce_min3A_713 [1] : vector<512x128xi32> to vector<512xi32>
    %broadcast_in_dim3A_715 = vector.shape_cast %reduce_min3A_714 : vector<512xi32> to vector<512x1xi32>
    %jit3A_716 = arith.constant 1 : i32
    %jit3A_717 = arith.constant 0 : i32
    %broadcast_in_dim3A_718 = vector.broadcast %jit3A_716 : i32 to vector<512x128xi32>
    %broadcast_in_dim3A_719 = vector.broadcast %jit3A_717 : i32 to vector<512x128xi32>
    %select_n3A_720 = arith.select %eq3A_710, %broadcast_in_dim3A_718, %broadcast_in_dim3A_719 : vector<512x128xi1>, vector<512x128xi32>
    %reduce_sum3A_721 = arith.constant dense<0> : vector<512xi32>
    %reduce_sum3A_722 = vector.multi_reduction <add>, %select_n3A_720, %reduce_sum3A_721 [1] : vector<512x128xi32> to vector<512xi32>
    %broadcast_in_dim3A_723 = vector.shape_cast %reduce_sum3A_722 : vector<512xi32> to vector<512x1xi32>
    %jit3A_724 = arith.constant 0x7F800000 : f32
    %broadcast_in_dim3A_725 = vector.broadcast %jit3A_724 : f32 to vector<512x128xf32>
    %select_n3A_726 = arith.select %eq3A_710, %broadcast_in_dim3A_725, %min3A_707 : vector<512x128xi1>, vector<512x128xf32>
    %reduce_min3A_727 = arith.constant dense<0x7F800000> : vector<512xf32>
    %reduce_min3A_728 = vector.multi_reduction <minimumf>, %select_n3A_726, %reduce_min3A_727 [1] : vector<512x128xf32> to vector<512xf32>
    %broadcast_in_dim3A_729 = vector.shape_cast %reduce_min3A_728 : vector<512xf32> to vector<512x1xf32>
    %reduce_min3A_730 = arith.constant dense<0x7F800000> : vector<512xf32>
    %reduce_min3A_731 = vector.multi_reduction <minimumf>, %min3A_705, %reduce_min3A_730 [1] : vector<512x128xf32> to vector<512xf32>
    %broadcast_in_dim3A_732 = vector.shape_cast %reduce_min3A_731 : vector<512xf32> to vector<512x1xf32>
    %ge3A = arith.constant 2 : i32
    %ge3A_733 = vector.broadcast %ge3A : i32 to vector<512x1xi32>
    %ge3A_734 = arith.cmpi sge, %broadcast_in_dim3A_723, %ge3A_733 : vector<512x1xi32>
    %select_n3A_735 = arith.select %ge3A_734, %broadcast_in_dim3A_709, %broadcast_in_dim3A_729 : vector<512x1xi1>, vector<512x1xf32>
    %min3A_736 = arith.minimumf %broadcast_in_dim3A_732, %select_n3A_735 : vector<512x1xf32>
    %bitcast_convert_type3A = tpu.bitcast %broadcast_in_dim3A_709 : vector<512x1xf32> -> vector<512x1xi32>
    %bitcast_convert_type3A_737 = tpu.bitcast %min3A_736 : vector<512x1xf32> -> vector<512x1xi32>
    %add3A_738 = arith.constant 8 : i32
    %add3A_739 = vector.broadcast %add3A_738 : i32 to vector<512x1xi32>
    %add3A_740 = arith.addi %bitcast_convert_type3A, %add3A_739 : vector<512x1xi32>
    %le3A = arith.cmpi sle, %bitcast_convert_type3A_737, %add3A_740 : vector<512x1xi32>
    %ge3A_741 = arith.constant 0 : i32
    %ge3A_742 = vector.broadcast %ge3A_741 : i32 to vector<512x1xi32>
    %ge3A_743 = arith.cmpi sge, %bitcast_convert_type3A_737, %ge3A_742 : vector<512x1xi32>
    %and3A = arith.andi %le3A, %ge3A_743 : vector<512x1xi1>
    %jit3A_744 = arith.constant 1 : i32
    %jit3A_745 = arith.constant 0 : i32
    %broadcast_in_dim3A_746 = vector.broadcast %jit3A_744 : i32 to vector<512x1xi32>
    %broadcast_in_dim3A_747 = vector.broadcast %jit3A_745 : i32 to vector<512x1xi32>
    %select_n3A_748 = arith.select %and3A, %broadcast_in_dim3A_746, %broadcast_in_dim3A_747 : vector<512x1xi1>, vector<512x1xi32>
    %reduce_sum3A_749 = vector.shape_cast %select_n3A_748 : vector<512x1xi32> to vector<1x512x1xi32>
    %reduce_sum3A_750 = arith.constant dense<0> : vector<1xi32>
    %reduce_sum3A_751 = vector.multi_reduction <add>, %reduce_sum3A_749, %reduce_sum3A_750 [1, 2] : vector<1x512x1xi32> to vector<1xi32>
    %reduce_sum3A_752 = vector.shape_cast %reduce_sum3A_751 : vector<1xi32> to vector<1x1x1xi32>
    %reduce_sum3A_753 = vector.extract %reduce_sum3A_752[0, 0, 0] : i32 from vector<1x1x1xi32>
    %swap3A = arith.constant 0 : index
    %swap3A_754 = arith.constant 0 : index
    %swap3A_755 = vector.load %arg3[%swap3A, %swap3A_754] : memref<512x1xi32, #tpu.memory_space<vmem>>, vector<512x1xi32>
    tpu.vector_store %arg3[%swap3A, %swap3A_754], %broadcast_in_dim3A_715 {strides = array<i32>} : memref<512x1xi32, #tpu.memory_space<vmem>>, vector<512x1xi32>,
    %reduce_sum3A_756 = vector.shape_cast %broadcast_in_dim3A_709 : vector<512x1xf32> to vector<1x512x1xf32>
    %reduce_sum3A_757 = arith.constant dense<0.000000e+00> : vector<1xf32>
    %reduce_sum3A_758 = vector.multi_reduction <add>, %reduce_sum3A_756, %reduce_sum3A_757 [1, 2] : vector<1x512x1xf32> to vector<1xf32>
    %reduce_sum3A_759 = vector.shape_cast %reduce_sum3A_758 : vector<1xf32> to vector<1x1x1xf32>
    %reduce_sum3A_760 = vector.extract %reduce_sum3A_759[0, 0, 0] : f32 from vector<1x1x1xf32>
    %reshape3A_761 = vector.broadcast %reduce_sum3A_760 : f32 to vector<1x1xf32>
    %swap3A_762 = arith.index_cast %arg0 : i32 to index
    %swap3A_763 = arith.constant 0 : index
    %swap3A_764 = vector.load %arg4[%swap3A_762, %swap3A_763] : memref<8x1xf32, #tpu.memory_space<vmem>>, vector<1x1xf32>
    tpu.vector_store %arg4[%swap3A_762, %swap3A_763], %reshape3A_761 {strides = array<i32>} : memref<8x1xf32, #tpu.memory_space<vmem>>, vector<1x1xf32>,
    %gt3A = arith.constant 0 : i32
    %gt3A_765 = arith.cmpi sgt, %reduce_sum3A_753, %gt3A : i32
    %convert_element_type3A = arith.extui %gt3A_765 : i1 to i32
    %cond3A = arith.constant 0 : i32
    %cond3A_766 = arith.cmpi ne, %convert_element_type3A, %cond3A : i32
    scf.if %cond3A_766 {
      %broadcast_in_dim3A_767 = arith.constant 0x7F800000 : f32
      %broadcast_in_dim3A_768 = vector.broadcast %broadcast_in_dim3A_767 : f32 to vector<512x1xf32>
      %broadcast_in_dim3A_769 = arith.constant 0 : i32
      %broadcast_in_dim3A_770 = vector.broadcast %broadcast_in_dim3A_769 : i32 to vector<512x1xi32>
      %get3A_771 = arith.constant 0 : index
      %get3A_772 = arith.constant 0 : index
      %get3A_773 = vector.load %arg2[%get3A_771, %get3A_772] : memref<8192x64xf32, #tpu.memory_space<vmem>>, vector<1024x64xf32>
      %mul3A_774 = arith.mulf %get3A_773, %get3A_773 : vector<1024x64xf32>
      %reduce_sum3A_775 = arith.constant dense<0.000000e+00> : vector<1024xf32>
      %reduce_sum3A_776 = vector.multi_reduction <add>, %mul3A_774, %reduce_sum3A_775 [1] : vector<1024x64xf32> to vector<1024xf32>
      %reshape3A_777 = vector.shape_cast %reduce_sum3A_776 : vector<1024xf32> to vector<1x1024xf32>
      %dot_general3A_778 = arith.constant dense<0.000000e+00> : vector<512x1024xf32>
      %dot_general3A_779 = tpu.matmul %get3A_1, %get3A_773, %dot_general3A_778 {dimension_numbers = #tpu.dot_dimension_numbers<[1], [1], [0], [0], [0, 0, 1, 0], [], []>, transpose_lhs_hint = false} : vector<512x64xf32>, vector<1024x64xf32>, vector<512x1024xf32> -> vector<512x1024xf32>
      %add3A_780 = vector.broadcast %broadcast_in_dim3A : vector<512x1xf32> to vector<512x1024xf32>
      %add3A_781 = vector.broadcast %reshape3A_777 : vector<1x1024xf32> to vector<512x1024xf32>
      %add3A_782 = arith.addf %add3A_780, %add3A_781 : vector<512x1024xf32>
      %mul3A_783 = arith.constant 2.000000e+00 : f32
      %mul3A_784 = vector.broadcast %mul3A_783 : f32 to vector<512x1024xf32>
      %mul3A_785 = arith.mulf %mul3A_784, %dot_general3A_779 : vector<512x1024xf32>
      %sub3A = arith.subf %add3A_782, %mul3A_785 : vector<512x1024xf32>
      %max3A_786 = arith.constant 0.000000e+00 : f32
      %max3A_787 = vector.broadcast %max3A_786 : f32 to vector<512x1024xf32>
      %max3A_788 = arith.maximumf %sub3A, %max3A_787 : vector<512x1024xf32>
      %sqrt3A = math.sqrt %max3A_788 : vector<512x1024xf32>
      %reduce_min3A_789 = arith.constant dense<0x7F800000> : vector<512xf32>
      %reduce_min3A_790 = vector.multi_reduction <minimumf>, %sqrt3A, %reduce_min3A_789 [1] : vector<512x1024xf32> to vector<512xf32>
      %broadcast_in_dim3A_791 = vector.shape_cast %reduce_min3A_790 : vector<512xf32> to vector<512x1xf32>
      %iota3A_792 = tpu.iota {dimensions = array<i32: 1>} : vector<512x1024xi32>
      %add3A_793 = arith.constant 0 : i32
      %add3A_794 = vector.broadcast %add3A_793 : i32 to vector<512x1024xi32>
      %add3A_795 = arith.addi %iota3A_792, %add3A_794 : vector<512x1024xi32>
      %eq3A_796 = vector.broadcast %broadcast_in_dim3A_791 : vector<512x1xf32> to vector<512x1024xf32>
      %eq3A_797 = arith.cmpf oeq, %sqrt3A, %eq3A_796 : vector<512x1024xf32>
      %jit3A_798 = arith.constant 8192 : i32
      %broadcast_in_dim3A_799 = vector.broadcast %jit3A_798 : i32 to vector<512x1024xi32>
      %select_n3A_800 = arith.select %eq3A_797, %add3A_795, %broadcast_in_dim3A_799 : vector<512x1024xi1>, vector<512x1024xi32>
      %reduce_min3A_801 = arith.constant dense<2147483647> : vector<512xi32>
      %reduce_min3A_802 = vector.multi_reduction <minsi>, %select_n3A_800, %reduce_min3A_801 [1] : vector<512x1024xi32> to vector<512xi32>
      %broadcast_in_dim3A_803 = vector.shape_cast %reduce_min3A_802 : vector<512xi32> to vector<512x1xi32>
      %lt3A_804 = arith.cmpf olt, %broadcast_in_dim3A_791, %broadcast_in_dim3A_768 : vector<512x1xf32>
      %select_n3A_805 = arith.select %lt3A_804, %broadcast_in_dim3A_791, %broadcast_in_dim3A_768 : vector<512x1xi1>, vector<512x1xf32>
      %select_n3A_806 = arith.select %lt3A_804, %broadcast_in_dim3A_803, %broadcast_in_dim3A_770 : vector<512x1xi1>, vector<512x1xi32>
      %get3A_807 = arith.constant 1024 : index
      %get3A_808 = arith.constant 0 : index
      %get3A_809 = vector.load %arg2[%get3A_807, %get3A_808] : memref<8192x64xf32, #tpu.memory_space<vmem>>, vector<1024x64xf32>
      %mul3A_810 = arith.mulf %get3A_809, %get3A_809 : vector<1024x64xf32>
      %reduce_sum3A_811 = arith.constant dense<0.000000e+00> : vector<1024xf32>
      %reduce_sum3A_812 = vector.multi_reduction <add>, %mul3A_810, %reduce_sum3A_811 [1] : vector<1024x64xf32> to vector<1024xf32>
      %reshape3A_813 = vector.shape_cast %reduce_sum3A_812 : vector<1024xf32> to vector<1x1024xf32>
      %dot_general3A_814 = arith.constant dense<0.000000e+00> : vector<512x1024xf32>
      %dot_general3A_815 = tpu.matmul %get3A_1, %get3A_809, %dot_general3A_814 {dimension_numbers = #tpu.dot_dimension_numbers<[1], [1], [0], [0], [0, 0, 1, 0], [], []>, transpose_lhs_hint = false} : vector<512x64xf32>, vector<1024x64xf32>, vector<512x1024xf32> -> vector<512x1024xf32>
      %add3A_816 = vector.broadcast %broadcast_in_dim3A : vector<512x1xf32> to vector<512x1024xf32>
      %add3A_817 = vector.broadcast %reshape3A_813 : vector<1x1024xf32> to vector<512x1024xf32>
      %add3A_818 = arith.addf %add3A_816, %add3A_817 : vector<512x1024xf32>
      %mul3A_819 = arith.constant 2.000000e+00 : f32
      %mul3A_820 = vector.broadcast %mul3A_819 : f32 to vector<512x1024xf32>
      %mul3A_821 = arith.mulf %mul3A_820, %dot_general3A_815 : vector<512x1024xf32>
      %sub3A_822 = arith.subf %add3A_818, %mul3A_821 : vector<512x1024xf32>
      %max3A_823 = arith.constant 0.000000e+00 : f32
      %max3A_824 = vector.broadcast %max3A_823 : f32 to vector<512x1024xf32>
      %max3A_825 = arith.maximumf %sub3A_822, %max3A_824 : vector<512x1024xf32>
      %sqrt3A_826 = math.sqrt %max3A_825 : vector<512x1024xf32>
      %reduce_min3A_827 = arith.constant dense<0x7F800000> : vector<512xf32>
      %reduce_min3A_828 = vector.multi_reduction <minimumf>, %sqrt3A_826, %reduce_min3A_827 [1] : vector<512x1024xf32> to vector<512xf32>
      %broadcast_in_dim3A_829 = vector.shape_cast %reduce_min3A_828 : vector<512xf32> to vector<512x1xf32>
      %iota3A_830 = tpu.iota {dimensions = array<i32: 1>} : vector<512x1024xi32>
      %add3A_831 = arith.constant 1024 : i32
      %add3A_832 = vector.broadcast %add3A_831 : i32 to vector<512x1024xi32>
      %add3A_833 = arith.addi %iota3A_830, %add3A_832 : vector<512x1024xi32>
      %eq3A_834 = vector.broadcast %broadcast_in_dim3A_829 : vector<512x1xf32> to vector<512x1024xf32>
      %eq3A_835 = arith.cmpf oeq, %sqrt3A_826, %eq3A_834 : vector<512x1024xf32>
      %jit3A_836 = arith.constant 8192 : i32
      %broadcast_in_dim3A_837 = vector.broadcast %jit3A_836 : i32 to vector<512x1024xi32>
      %select_n3A_838 = arith.select %eq3A_835, %add3A_833, %broadcast_in_dim3A_837 : vector<512x1024xi1>, vector<512x1024xi32>
      %reduce_min3A_839 = arith.constant dense<2147483647> : vector<512xi32>
      %reduce_min3A_840 = vector.multi_reduction <minsi>, %select_n3A_838, %reduce_min3A_839 [1] : vector<512x1024xi32> to vector<512xi32>
      %broadcast_in_dim3A_841 = vector.shape_cast %reduce_min3A_840 : vector<512xi32> to vector<512x1xi32>
      %lt3A_842 = arith.cmpf olt, %broadcast_in_dim3A_829, %select_n3A_805 : vector<512x1xf32>
      %select_n3A_843 = arith.select %lt3A_842, %broadcast_in_dim3A_829, %select_n3A_805 : vector<512x1xi1>, vector<512x1xf32>
      %select_n3A_844 = arith.select %lt3A_842, %broadcast_in_dim3A_841, %select_n3A_806 : vector<512x1xi1>, vector<512x1xi32>
      %get3A_845 = arith.constant 2048 : index
      %get3A_846 = arith.constant 0 : index
      %get3A_847 = vector.load %arg2[%get3A_845, %get3A_846] : memref<8192x64xf32, #tpu.memory_space<vmem>>, vector<1024x64xf32>
      %mul3A_848 = arith.mulf %get3A_847, %get3A_847 : vector<1024x64xf32>
      %reduce_sum3A_849 = arith.constant dense<0.000000e+00> : vector<1024xf32>
      %reduce_sum3A_850 = vector.multi_reduction <add>, %mul3A_848, %reduce_sum3A_849 [1] : vector<1024x64xf32> to vector<1024xf32>
      %reshape3A_851 = vector.shape_cast %reduce_sum3A_850 : vector<1024xf32> to vector<1x1024xf32>
      %dot_general3A_852 = arith.constant dense<0.000000e+00> : vector<512x1024xf32>
      %dot_general3A_853 = tpu.matmul %get3A_1, %get3A_847, %dot_general3A_852 {dimension_numbers = #tpu.dot_dimension_numbers<[1], [1], [0], [0], [0, 0, 1, 0], [], []>, transpose_lhs_hint = false} : vector<512x64xf32>, vector<1024x64xf32>, vector<512x1024xf32> -> vector<512x1024xf32>
      %add3A_854 = vector.broadcast %broadcast_in_dim3A : vector<512x1xf32> to vector<512x1024xf32>
      %add3A_855 = vector.broadcast %reshape3A_851 : vector<1x1024xf32> to vector<512x1024xf32>
      %add3A_856 = arith.addf %add3A_854, %add3A_855 : vector<512x1024xf32>
      %mul3A_857 = arith.constant 2.000000e+00 : f32
      %mul3A_858 = vector.broadcast %mul3A_857 : f32 to vector<512x1024xf32>
      %mul3A_859 = arith.mulf %mul3A_858, %dot_general3A_853 : vector<512x1024xf32>
      %sub3A_860 = arith.subf %add3A_856, %mul3A_859 : vector<512x1024xf32>
      %max3A_861 = arith.constant 0.000000e+00 : f32
      %max3A_862 = vector.broadcast %max3A_861 : f32 to vector<512x1024xf32>
      %max3A_863 = arith.maximumf %sub3A_860, %max3A_862 : vector<512x1024xf32>
      %sqrt3A_864 = math.sqrt %max3A_863 : vector<512x1024xf32>
      %reduce_min3A_865 = arith.constant dense<0x7F800000> : vector<512xf32>
      %reduce_min3A_866 = vector.multi_reduction <minimumf>, %sqrt3A_864, %reduce_min3A_865 [1] : vector<512x1024xf32> to vector<512xf32>
      %broadcast_in_dim3A_867 = vector.shape_cast %reduce_min3A_866 : vector<512xf32> to vector<512x1xf32>
      %iota3A_868 = tpu.iota {dimensions = array<i32: 1>} : vector<512x1024xi32>
      %add3A_869 = arith.constant 2048 : i32
      %add3A_870 = vector.broadcast %add3A_869 : i32 to vector<512x1024xi32>
      %add3A_871 = arith.addi %iota3A_868, %add3A_870 : vector<512x1024xi32>
      %eq3A_872 = vector.broadcast %broadcast_in_dim3A_867 : vector<512x1xf32> to vector<512x1024xf32>
      %eq3A_873 = arith.cmpf oeq, %sqrt3A_864, %eq3A_872 : vector<512x1024xf32>
      %jit3A_874 = arith.constant 8192 : i32
      %broadcast_in_dim3A_875 = vector.broadcast %jit3A_874 : i32 to vector<512x1024xi32>
      %select_n3A_876 = arith.select %eq3A_873, %add3A_871, %broadcast_in_dim3A_875 : vector<512x1024xi1>, vector<512x1024xi32>
      %reduce_min3A_877 = arith.constant dense<2147483647> : vector<512xi32>
      %reduce_min3A_878 = vector.multi_reduction <minsi>, %select_n3A_876, %reduce_min3A_877 [1] : vector<512x1024xi32> to vector<512xi32>
      %broadcast_in_dim3A_879 = vector.shape_cast %reduce_min3A_878 : vector<512xi32> to vector<512x1xi32>
      %lt3A_880 = arith.cmpf olt, %broadcast_in_dim3A_867, %select_n3A_843 : vector<512x1xf32>
      %select_n3A_881 = arith.select %lt3A_880, %broadcast_in_dim3A_867, %select_n3A_843 : vector<512x1xi1>, vector<512x1xf32>
      %select_n3A_882 = arith.select %lt3A_880, %broadcast_in_dim3A_879, %select_n3A_844 : vector<512x1xi1>, vector<512x1xi32>
      %get3A_883 = arith.constant 3072 : index
      %get3A_884 = arith.constant 0 : index
      %get3A_885 = vector.load %arg2[%get3A_883, %get3A_884] : memref<8192x64xf32, #tpu.memory_space<vmem>>, vector<1024x64xf32>
      %mul3A_886 = arith.mulf %get3A_885, %get3A_885 : vector<1024x64xf32>
      %reduce_sum3A_887 = arith.constant dense<0.000000e+00> : vector<1024xf32>
      %reduce_sum3A_888 = vector.multi_reduction <add>, %mul3A_886, %reduce_sum3A_887 [1] : vector<1024x64xf32> to vector<1024xf32>
      %reshape3A_889 = vector.shape_cast %reduce_sum3A_888 : vector<1024xf32> to vector<1x1024xf32>
      %dot_general3A_890 = arith.constant dense<0.000000e+00> : vector<512x1024xf32>
      %dot_general3A_891 = tpu.matmul %get3A_1, %get3A_885, %dot_general3A_890 {dimension_numbers = #tpu.dot_dimension_numbers<[1], [1], [0], [0], [0, 0, 1, 0], [], []>, transpose_lhs_hint = false} : vector<512x64xf32>, vector<1024x64xf32>, vector<512x1024xf32> -> vector<512x1024xf32>
      %add3A_892 = vector.broadcast %broadcast_in_dim3A : vector<512x1xf32> to vector<512x1024xf32>
      %add3A_893 = vector.broadcast %reshape3A_889 : vector<1x1024xf32> to vector<512x1024xf32>
      %add3A_894 = arith.addf %add3A_892, %add3A_893 : vector<512x1024xf32>
      %mul3A_895 = arith.constant 2.000000e+00 : f32
      %mul3A_896 = vector.broadcast %mul3A_895 : f32 to vector<512x1024xf32>
      %mul3A_897 = arith.mulf %mul3A_896, %dot_general3A_891 : vector<512x1024xf32>
      %sub3A_898 = arith.subf %add3A_894, %mul3A_897 : vector<512x1024xf32>
      %max3A_899 = arith.constant 0.000000e+00 : f32
      %max3A_900 = vector.broadcast %max3A_899 : f32 to vector<512x1024xf32>
      %max3A_901 = arith.maximumf %sub3A_898, %max3A_900 : vector<512x1024xf32>
      %sqrt3A_902 = math.sqrt %max3A_901 : vector<512x1024xf32>
      %reduce_min3A_903 = arith.constant dense<0x7F800000> : vector<512xf32>
      %reduce_min3A_904 = vector.multi_reduction <minimumf>, %sqrt3A_902, %reduce_min3A_903 [1] : vector<512x1024xf32> to vector<512xf32>
      %broadcast_in_dim3A_905 = vector.shape_cast %reduce_min3A_904 : vector<512xf32> to vector<512x1xf32>
      %iota3A_906 = tpu.iota {dimensions = array<i32: 1>} : vector<512x1024xi32>
      %add3A_907 = arith.constant 3072 : i32
      %add3A_908 = vector.broadcast %add3A_907 : i32 to vector<512x1024xi32>
      %add3A_909 = arith.addi %iota3A_906, %add3A_908 : vector<512x1024xi32>
      %eq3A_910 = vector.broadcast %broadcast_in_dim3A_905 : vector<512x1xf32> to vector<512x1024xf32>
      %eq3A_911 = arith.cmpf oeq, %sqrt3A_902, %eq3A_910 : vector<512x1024xf32>
      %jit3A_912 = arith.constant 8192 : i32
      %broadcast_in_dim3A_913 = vector.broadcast %jit3A_912 : i32 to vector<512x1024xi32>
      %select_n3A_914 = arith.select %eq3A_911, %add3A_909, %broadcast_in_dim3A_913 : vector<512x1024xi1>, vector<512x1024xi32>
      %reduce_min3A_915 = arith.constant dense<2147483647> : vector<512xi32>
      %reduce_min3A_916 = vector.multi_reduction <minsi>, %select_n3A_914, %reduce_min3A_915 [1] : vector<512x1024xi32> to vector<512xi32>
      %broadcast_in_dim3A_917 = vector.shape_cast %reduce_min3A_916 : vector<512xi32> to vector<512x1xi32>
      %lt3A_918 = arith.cmpf olt, %broadcast_in_dim3A_905, %select_n3A_881 : vector<512x1xf32>
      %select_n3A_919 = arith.select %lt3A_918, %broadcast_in_dim3A_905, %select_n3A_881 : vector<512x1xi1>, vector<512x1xf32>
      %select_n3A_920 = arith.select %lt3A_918, %broadcast_in_dim3A_917, %select_n3A_882 : vector<512x1xi1>, vector<512x1xi32>
      %get3A_921 = arith.constant 4096 : index
      %get3A_922 = arith.constant 0 : index
      %get3A_923 = vector.load %arg2[%get3A_921, %get3A_922] : memref<8192x64xf32, #tpu.memory_space<vmem>>, vector<1024x64xf32>
      %mul3A_924 = arith.mulf %get3A_923, %get3A_923 : vector<1024x64xf32>
      %reduce_sum3A_925 = arith.constant dense<0.000000e+00> : vector<1024xf32>
      %reduce_sum3A_926 = vector.multi_reduction <add>, %mul3A_924, %reduce_sum3A_925 [1] : vector<1024x64xf32> to vector<1024xf32>
      %reshape3A_927 = vector.shape_cast %reduce_sum3A_926 : vector<1024xf32> to vector<1x1024xf32>
      %dot_general3A_928 = arith.constant dense<0.000000e+00> : vector<512x1024xf32>
      %dot_general3A_929 = tpu.matmul %get3A_1, %get3A_923, %dot_general3A_928 {dimension_numbers = #tpu.dot_dimension_numbers<[1], [1], [0], [0], [0, 0, 1, 0], [], []>, transpose_lhs_hint = false} : vector<512x64xf32>, vector<1024x64xf32>, vector<512x1024xf32> -> vector<512x1024xf32>
      %add3A_930 = vector.broadcast %broadcast_in_dim3A : vector<512x1xf32> to vector<512x1024xf32>
      %add3A_931 = vector.broadcast %reshape3A_927 : vector<1x1024xf32> to vector<512x1024xf32>
      %add3A_932 = arith.addf %add3A_930, %add3A_931 : vector<512x1024xf32>
      %mul3A_933 = arith.constant 2.000000e+00 : f32
      %mul3A_934 = vector.broadcast %mul3A_933 : f32 to vector<512x1024xf32>
      %mul3A_935 = arith.mulf %mul3A_934, %dot_general3A_929 : vector<512x1024xf32>
      %sub3A_936 = arith.subf %add3A_932, %mul3A_935 : vector<512x1024xf32>
      %max3A_937 = arith.constant 0.000000e+00 : f32
      %max3A_938 = vector.broadcast %max3A_937 : f32 to vector<512x1024xf32>
      %max3A_939 = arith.maximumf %sub3A_936, %max3A_938 : vector<512x1024xf32>
      %sqrt3A_940 = math.sqrt %max3A_939 : vector<512x1024xf32>
      %reduce_min3A_941 = arith.constant dense<0x7F800000> : vector<512xf32>
      %reduce_min3A_942 = vector.multi_reduction <minimumf>, %sqrt3A_940, %reduce_min3A_941 [1] : vector<512x1024xf32> to vector<512xf32>
      %broadcast_in_dim3A_943 = vector.shape_cast %reduce_min3A_942 : vector<512xf32> to vector<512x1xf32>
      %iota3A_944 = tpu.iota {dimensions = array<i32: 1>} : vector<512x1024xi32>
      %add3A_945 = arith.constant 4096 : i32
      %add3A_946 = vector.broadcast %add3A_945 : i32 to vector<512x1024xi32>
      %add3A_947 = arith.addi %iota3A_944, %add3A_946 : vector<512x1024xi32>
      %eq3A_948 = vector.broadcast %broadcast_in_dim3A_943 : vector<512x1xf32> to vector<512x1024xf32>
      %eq3A_949 = arith.cmpf oeq, %sqrt3A_940, %eq3A_948 : vector<512x1024xf32>
      %jit3A_950 = arith.constant 8192 : i32
      %broadcast_in_dim3A_951 = vector.broadcast %jit3A_950 : i32 to vector<512x1024xi32>
      %select_n3A_952 = arith.select %eq3A_949, %add3A_947, %broadcast_in_dim3A_951 : vector<512x1024xi1>, vector<512x1024xi32>
      %reduce_min3A_953 = arith.constant dense<2147483647> : vector<512xi32>
      %reduce_min3A_954 = vector.multi_reduction <minsi>, %select_n3A_952, %reduce_min3A_953 [1] : vector<512x1024xi32> to vector<512xi32>
      %broadcast_in_dim3A_955 = vector.shape_cast %reduce_min3A_954 : vector<512xi32> to vector<512x1xi32>
      %lt3A_956 = arith.cmpf olt, %broadcast_in_dim3A_943, %select_n3A_919 : vector<512x1xf32>
      %select_n3A_957 = arith.select %lt3A_956, %broadcast_in_dim3A_943, %select_n3A_919 : vector<512x1xi1>, vector<512x1xf32>
      %select_n3A_958 = arith.select %lt3A_956, %broadcast_in_dim3A_955, %select_n3A_920 : vector<512x1xi1>, vector<512x1xi32>
      %get3A_959 = arith.constant 5120 : index
      %get3A_960 = arith.constant 0 : index
      %get3A_961 = vector.load %arg2[%get3A_959, %get3A_960] : memref<8192x64xf32, #tpu.memory_space<vmem>>, vector<1024x64xf32>
      %mul3A_962 = arith.mulf %get3A_961, %get3A_961 : vector<1024x64xf32>
      %reduce_sum3A_963 = arith.constant dense<0.000000e+00> : vector<1024xf32>
      %reduce_sum3A_964 = vector.multi_reduction <add>, %mul3A_962, %reduce_sum3A_963 [1] : vector<1024x64xf32> to vector<1024xf32>
      %reshape3A_965 = vector.shape_cast %reduce_sum3A_964 : vector<1024xf32> to vector<1x1024xf32>
      %dot_general3A_966 = arith.constant dense<0.000000e+00> : vector<512x1024xf32>
      %dot_general3A_967 = tpu.matmul %get3A_1, %get3A_961, %dot_general3A_966 {dimension_numbers = #tpu.dot_dimension_numbers<[1], [1], [0], [0], [0, 0, 1, 0], [], []>, transpose_lhs_hint = false} : vector<512x64xf32>, vector<1024x64xf32>, vector<512x1024xf32> -> vector<512x1024xf32>
      %add3A_968 = vector.broadcast %broadcast_in_dim3A : vector<512x1xf32> to vector<512x1024xf32>
      %add3A_969 = vector.broadcast %reshape3A_965 : vector<1x1024xf32> to vector<512x1024xf32>
      %add3A_970 = arith.addf %add3A_968, %add3A_969 : vector<512x1024xf32>
      %mul3A_971 = arith.constant 2.000000e+00 : f32
      %mul3A_972 = vector.broadcast %mul3A_971 : f32 to vector<512x1024xf32>
      %mul3A_973 = arith.mulf %mul3A_972, %dot_general3A_967 : vector<512x1024xf32>
      %sub3A_974 = arith.subf %add3A_970, %mul3A_973 : vector<512x1024xf32>
      %max3A_975 = arith.constant 0.000000e+00 : f32
      %max3A_976 = vector.broadcast %max3A_975 : f32 to vector<512x1024xf32>
      %max3A_977 = arith.maximumf %sub3A_974, %max3A_976 : vector<512x1024xf32>
      %sqrt3A_978 = math.sqrt %max3A_977 : vector<512x1024xf32>
      %reduce_min3A_979 = arith.constant dense<0x7F800000> : vector<512xf32>
      %reduce_min3A_980 = vector.multi_reduction <minimumf>, %sqrt3A_978, %reduce_min3A_979 [1] : vector<512x1024xf32> to vector<512xf32>
      %broadcast_in_dim3A_981 = vector.shape_cast %reduce_min3A_980 : vector<512xf32> to vector<512x1xf32>
      %iota3A_982 = tpu.iota {dimensions = array<i32: 1>} : vector<512x1024xi32>
      %add3A_983 = arith.constant 5120 : i32
      %add3A_984 = vector.broadcast %add3A_983 : i32 to vector<512x1024xi32>
      %add3A_985 = arith.addi %iota3A_982, %add3A_984 : vector<512x1024xi32>
      %eq3A_986 = vector.broadcast %broadcast_in_dim3A_981 : vector<512x1xf32> to vector<512x1024xf32>
      %eq3A_987 = arith.cmpf oeq, %sqrt3A_978, %eq3A_986 : vector<512x1024xf32>
      %jit3A_988 = arith.constant 8192 : i32
      %broadcast_in_dim3A_989 = vector.broadcast %jit3A_988 : i32 to vector<512x1024xi32>
      %select_n3A_990 = arith.select %eq3A_987, %add3A_985, %broadcast_in_dim3A_989 : vector<512x1024xi1>, vector<512x1024xi32>
      %reduce_min3A_991 = arith.constant dense<2147483647> : vector<512xi32>
      %reduce_min3A_992 = vector.multi_reduction <minsi>, %select_n3A_990, %reduce_min3A_991 [1] : vector<512x1024xi32> to vector<512xi32>
      %broadcast_in_dim3A_993 = vector.shape_cast %reduce_min3A_992 : vector<512xi32> to vector<512x1xi32>
      %lt3A_994 = arith.cmpf olt, %broadcast_in_dim3A_981, %select_n3A_957 : vector<512x1xf32>
      %select_n3A_995 = arith.select %lt3A_994, %broadcast_in_dim3A_981, %select_n3A_957 : vector<512x1xi1>, vector<512x1xf32>
      %select_n3A_996 = arith.select %lt3A_994, %broadcast_in_dim3A_993, %select_n3A_958 : vector<512x1xi1>, vector<512x1xi32>
      %get3A_997 = arith.constant 6144 : index
      %get3A_998 = arith.constant 0 : index
      %get3A_999 = vector.load %arg2[%get3A_997, %get3A_998] : memref<8192x64xf32, #tpu.memory_space<vmem>>, vector<1024x64xf32>
      %mul3A_1000 = arith.mulf %get3A_999, %get3A_999 : vector<1024x64xf32>
      %reduce_sum3A_1001 = arith.constant dense<0.000000e+00> : vector<1024xf32>
      %reduce_sum3A_1002 = vector.multi_reduction <add>, %mul3A_1000, %reduce_sum3A_1001 [1] : vector<1024x64xf32> to vector<1024xf32>
      %reshape3A_1003 = vector.shape_cast %reduce_sum3A_1002 : vector<1024xf32> to vector<1x1024xf32>
      %dot_general3A_1004 = arith.constant dense<0.000000e+00> : vector<512x1024xf32>
      %dot_general3A_1005 = tpu.matmul %get3A_1, %get3A_999, %dot_general3A_1004 {dimension_numbers = #tpu.dot_dimension_numbers<[1], [1], [0], [0], [0, 0, 1, 0], [], []>, transpose_lhs_hint = false} : vector<512x64xf32>, vector<1024x64xf32>, vector<512x1024xf32> -> vector<512x1024xf32>
      %add3A_1006 = vector.broadcast %broadcast_in_dim3A : vector<512x1xf32> to vector<512x1024xf32>
      %add3A_1007 = vector.broadcast %reshape3A_1003 : vector<1x1024xf32> to vector<512x1024xf32>
      %add3A_1008 = arith.addf %add3A_1006, %add3A_1007 : vector<512x1024xf32>
      %mul3A_1009 = arith.constant 2.000000e+00 : f32
      %mul3A_1010 = vector.broadcast %mul3A_1009 : f32 to vector<512x1024xf32>
      %mul3A_1011 = arith.mulf %mul3A_1010, %dot_general3A_1005 : vector<512x1024xf32>
      %sub3A_1012 = arith.subf %add3A_1008, %mul3A_1011 : vector<512x1024xf32>
      %max3A_1013 = arith.constant 0.000000e+00 : f32
      %max3A_1014 = vector.broadcast %max3A_1013 : f32 to vector<512x1024xf32>
      %max3A_1015 = arith.maximumf %sub3A_1012, %max3A_1014 : vector<512x1024xf32>
      %sqrt3A_1016 = math.sqrt %max3A_1015 : vector<512x1024xf32>
      %reduce_min3A_1017 = arith.constant dense<0x7F800000> : vector<512xf32>
      %reduce_min3A_1018 = vector.multi_reduction <minimumf>, %sqrt3A_1016, %reduce_min3A_1017 [1] : vector<512x1024xf32> to vector<512xf32>
      %broadcast_in_dim3A_1019 = vector.shape_cast %reduce_min3A_1018 : vector<512xf32> to vector<512x1xf32>
      %iota3A_1020 = tpu.iota {dimensions = array<i32: 1>} : vector<512x1024xi32>
      %add3A_1021 = arith.constant 6144 : i32
      %add3A_1022 = vector.broadcast %add3A_1021 : i32 to vector<512x1024xi32>
      %add3A_1023 = arith.addi %iota3A_1020, %add3A_1022 : vector<512x1024xi32>
      %eq3A_1024 = vector.broadcast %broadcast_in_dim3A_1019 : vector<512x1xf32> to vector<512x1024xf32>
      %eq3A_1025 = arith.cmpf oeq, %sqrt3A_1016, %eq3A_1024 : vector<512x1024xf32>
      %jit3A_1026 = arith.constant 8192 : i32
      %broadcast_in_dim3A_1027 = vector.broadcast %jit3A_1026 : i32 to vector<512x1024xi32>
      %select_n3A_1028 = arith.select %eq3A_1025, %add3A_1023, %broadcast_in_dim3A_1027 : vector<512x1024xi1>, vector<512x1024xi32>
      %reduce_min3A_1029 = arith.constant dense<2147483647> : vector<512xi32>
      %reduce_min3A_1030 = vector.multi_reduction <minsi>, %select_n3A_1028, %reduce_min3A_1029 [1] : vector<512x1024xi32> to vector<512xi32>
      %broadcast_in_dim3A_1031 = vector.shape_cast %reduce_min3A_1030 : vector<512xi32> to vector<512x1xi32>
      %lt3A_1032 = arith.cmpf olt, %broadcast_in_dim3A_1019, %select_n3A_995 : vector<512x1xf32>
      %select_n3A_1033 = arith.select %lt3A_1032, %broadcast_in_dim3A_1019, %select_n3A_995 : vector<512x1xi1>, vector<512x1xf32>
      %select_n3A_1034 = arith.select %lt3A_1032, %broadcast_in_dim3A_1031, %select_n3A_996 : vector<512x1xi1>, vector<512x1xi32>
      %get3A_1035 = arith.constant 7168 : index
      %get3A_1036 = arith.constant 0 : index
      %get3A_1037 = vector.load %arg2[%get3A_1035, %get3A_1036] : memref<8192x64xf32, #tpu.memory_space<vmem>>, vector<1024x64xf32>
      %mul3A_1038 = arith.mulf %get3A_1037, %get3A_1037 : vector<1024x64xf32>
      %reduce_sum3A_1039 = arith.constant dense<0.000000e+00> : vector<1024xf32>
      %reduce_sum3A_1040 = vector.multi_reduction <add>, %mul3A_1038, %reduce_sum3A_1039 [1] : vector<1024x64xf32> to vector<1024xf32>
      %reshape3A_1041 = vector.shape_cast %reduce_sum3A_1040 : vector<1024xf32> to vector<1x1024xf32>
      %dot_general3A_1042 = arith.constant dense<0.000000e+00> : vector<512x1024xf32>
      %dot_general3A_1043 = tpu.matmul %get3A_1, %get3A_1037, %dot_general3A_1042 {dimension_numbers = #tpu.dot_dimension_numbers<[1], [1], [0], [0], [0, 0, 1, 0], [], []>, transpose_lhs_hint = false} : vector<512x64xf32>, vector<1024x64xf32>, vector<512x1024xf32> -> vector<512x1024xf32>
      %add3A_1044 = vector.broadcast %broadcast_in_dim3A : vector<512x1xf32> to vector<512x1024xf32>
      %add3A_1045 = vector.broadcast %reshape3A_1041 : vector<1x1024xf32> to vector<512x1024xf32>
      %add3A_1046 = arith.addf %add3A_1044, %add3A_1045 : vector<512x1024xf32>
      %mul3A_1047 = arith.constant 2.000000e+00 : f32
      %mul3A_1048 = vector.broadcast %mul3A_1047 : f32 to vector<512x1024xf32>
      %mul3A_1049 = arith.mulf %mul3A_1048, %dot_general3A_1043 : vector<512x1024xf32>
      %sub3A_1050 = arith.subf %add3A_1046, %mul3A_1049 : vector<512x1024xf32>
      %max3A_1051 = arith.constant 0.000000e+00 : f32
      %max3A_1052 = vector.broadcast %max3A_1051 : f32 to vector<512x1024xf32>
      %max3A_1053 = arith.maximumf %sub3A_1050, %max3A_1052 : vector<512x1024xf32>
      %sqrt3A_1054 = math.sqrt %max3A_1053 : vector<512x1024xf32>
      %reduce_min3A_1055 = arith.constant dense<0x7F800000> : vector<512xf32>
      %reduce_min3A_1056 = vector.multi_reduction <minimumf>, %sqrt3A_1054, %reduce_min3A_1055 [1] : vector<512x1024xf32> to vector<512xf32>
      %broadcast_in_dim3A_1057 = vector.shape_cast %reduce_min3A_1056 : vector<512xf32> to vector<512x1xf32>
      %iota3A_1058 = tpu.iota {dimensions = array<i32: 1>} : vector<512x1024xi32>
      %add3A_1059 = arith.constant 7168 : i32
      %add3A_1060 = vector.broadcast %add3A_1059 : i32 to vector<512x1024xi32>
      %add3A_1061 = arith.addi %iota3A_1058, %add3A_1060 : vector<512x1024xi32>
      %eq3A_1062 = vector.broadcast %broadcast_in_dim3A_1057 : vector<512x1xf32> to vector<512x1024xf32>
      %eq3A_1063 = arith.cmpf oeq, %sqrt3A_1054, %eq3A_1062 : vector<512x1024xf32>
      %jit3A_1064 = arith.constant 8192 : i32
      %broadcast_in_dim3A_1065 = vector.broadcast %jit3A_1064 : i32 to vector<512x1024xi32>
      %select_n3A_1066 = arith.select %eq3A_1063, %add3A_1061, %broadcast_in_dim3A_1065 : vector<512x1024xi1>, vector<512x1024xi32>
      %reduce_min3A_1067 = arith.constant dense<2147483647> : vector<512xi32>
      %reduce_min3A_1068 = vector.multi_reduction <minsi>, %select_n3A_1066, %reduce_min3A_1067 [1] : vector<512x1024xi32> to vector<512xi32>
      %broadcast_in_dim3A_1069 = vector.shape_cast %reduce_min3A_1068 : vector<512xi32> to vector<512x1xi32>
      %lt3A_1070 = arith.cmpf olt, %broadcast_in_dim3A_1057, %select_n3A_1033 : vector<512x1xf32>
      %select_n3A_1071 = arith.select %lt3A_1070, %broadcast_in_dim3A_1069, %select_n3A_1034 : vector<512x1xi1>, vector<512x1xi32>
      %swap3A_1072 = arith.constant 0 : index
      %swap3A_1073 = arith.constant 0 : index
      %swap3A_1074 = vector.load %arg3[%swap3A_1072, %swap3A_1073] : memref<512x1xi32, #tpu.memory_space<vmem>>, vector<512x1xi32>
      tpu.vector_store %arg3[%swap3A_1072, %swap3A_1073], %select_n3A_1071 {strides = array<i32>} : memref<512x1xi32, #tpu.memory_space<vmem>>, vector<512x1xi32>,
    } else {
    }
    return
  }
  func.func @transform_0(%arg0: i32) -> (i32, i32) {
    %c0_i32 = arith.constant 0 : i32
    %c0_i32_0 = arith.constant 0 : i32
    return %arg0, %c0_i32 : i32, i32
  }
  func.func @transform_1(%arg0: i32) -> (i32, i32) {
    %c0_i32 = arith.constant 0 : i32
    %c0_i32_0 = arith.constant 0 : i32
    %c0_i32_1 = arith.constant 0 : i32
    return %c0_i32, %c0_i32_0 : i32, i32
  }
  func.func @transform_2(%arg0: i32) -> (i32, i32) {
    %c0_i32 = arith.constant 0 : i32
    %c0_i32_0 = arith.constant 0 : i32
    return %arg0, %c0_i32 : i32, i32
  }
  func.func @transform_3(%arg0: i32) -> (i32, i32) {
    %c0_i32 = arith.constant 0 : i32
    %c0_i32_0 = arith.constant 0 : i32
    %c0_i32_1 = arith.constant 0 : i32
    return %c0_i32, %c0_i32_0 : i32, i32
  }
}

module attributes {stable_mosaic.version = 14 : i64} {
  func.func @_loss_body(%arg0: memref<8x1xf32, #tpu.memory_space<vmem>>, %arg1: memref<2x8192xf32, #tpu.memory_space<vmem>>, %arg2: memref<1x1xf32, #tpu.memory_space<vmem>>, %arg3: memref<1x1xf32, #tpu.memory_space<vmem>>) attributes {dimension_semantics = [], scalar_prefetch = 0 : i64, scratch_operands = 0 : i64, tpu.core_type = #tpu.core_type<tc>} {
    %get3A = arith.constant 0 : index
    %get3A_0 = arith.constant 0 : index
    %get3A_1 = vector.load %arg0[%get3A, %get3A_0] : memref<8x1xf32, #tpu.memory_space<vmem>>, vector<8x1xf32>
    %reduce_sum3A = vector.shape_cast %get3A_1 : vector<8x1xf32> to vector<1x8x1xf32>
    %reduce_sum3A_2 = arith.constant dense<0.000000e+00> : vector<1xf32>
    %reduce_sum3A_3 = vector.multi_reduction <add>, %reduce_sum3A, %reduce_sum3A_2 [1, 2] : vector<1x8x1xf32> to vector<1xf32>
    %reduce_sum3A_4 = vector.shape_cast %reduce_sum3A_3 : vector<1xf32> to vector<1x1x1xf32>
    %reduce_sum3A_5 = vector.extract %reduce_sum3A_4[0, 0, 0] : f32 from vector<1x1x1xf32>
    %mul3A = arith.constant 4.76837158E-6 : f32
    %mul3A_6 = arith.mulf %mul3A, %reduce_sum3A_5 : f32
    %reshape3A = vector.broadcast %mul3A_6 : f32 to vector<1x1xf32>
    %swap3A = arith.constant 0 : index
    %swap3A_7 = arith.constant 0 : index
    %swap3A_8 = vector.load %arg2[%swap3A, %swap3A_7] : memref<1x1xf32, #tpu.memory_space<vmem>>, vector<1x1xf32>
    tpu.vector_store %arg2[%swap3A, %swap3A_7], %reshape3A {strides = array<i32>} : memref<1x1xf32, #tpu.memory_space<vmem>>, vector<1x1xf32>,
    %get3A_9 = arith.constant 0 : index
    %get3A_10 = arith.constant 0 : index
    %get3A_11 = vector.load %arg1[%get3A_9, %get3A_10] : memref<2x8192xf32, #tpu.memory_space<vmem>>, vector<2x8192xf32>
    %reduce_sum3A_12 = arith.constant dense<0.000000e+00> : vector<8192xf32>
    %reduce_sum3A_13 = vector.multi_reduction <add>, %get3A_11, %reduce_sum3A_12 [0] : vector<2x8192xf32> to vector<8192xf32>
    %broadcast_in_dim3A = vector.shape_cast %reduce_sum3A_13 : vector<8192xf32> to vector<1x8192xf32>
    %mul3A_14 = arith.constant 2.44140625E-4 : f32
    %mul3A_15 = vector.broadcast %mul3A_14 : f32 to vector<1x8192xf32>
    %mul3A_16 = arith.mulf %broadcast_in_dim3A, %mul3A_15 : vector<1x8192xf32>
    %add3A = arith.constant 1.000000e-10 : f32
    %add3A_17 = vector.broadcast %add3A : f32 to vector<1x8192xf32>
    %add3A_18 = arith.addf %mul3A_16, %add3A_17 : vector<1x8192xf32>
    %log3A = math.log %add3A_18 : vector<1x8192xf32>
    %mul3A_19 = arith.mulf %mul3A_16, %log3A : vector<1x8192xf32>
    %reduce_sum3A_20 = vector.shape_cast %mul3A_19 : vector<1x8192xf32> to vector<1x1x8192xf32>
    %reduce_sum3A_21 = arith.constant dense<0.000000e+00> : vector<1xf32>
    %reduce_sum3A_22 = vector.multi_reduction <add>, %reduce_sum3A_20, %reduce_sum3A_21 [1, 2] : vector<1x1x8192xf32> to vector<1xf32>
    %reduce_sum3A_23 = vector.shape_cast %reduce_sum3A_22 : vector<1xf32> to vector<1x1x1xf32>
    %reduce_sum3A_24 = vector.extract %reduce_sum3A_23[0, 0, 0] : f32 from vector<1x1x1xf32>
    %neg3A = arith.constant 0.000000e+00 : f32
    %neg3A_25 = arith.subf %neg3A, %reduce_sum3A_24 : f32
    %exp3A = math.exp %neg3A_25 : f32
    %reshape3A_26 = vector.broadcast %exp3A : f32 to vector<1x1xf32>
    %swap3A_27 = arith.constant 0 : index
    %swap3A_28 = arith.constant 0 : index
    %swap3A_29 = vector.load %arg3[%swap3A_27, %swap3A_28] : memref<1x1xf32, #tpu.memory_space<vmem>>, vector<1x1xf32>
    tpu.vector_store %arg3[%swap3A_27, %swap3A_28], %reshape3A_26 {strides = array<i32>} : memref<1x1xf32, #tpu.memory_space<vmem>>, vector<1x1xf32>,
    return
  }
}

</mosaic_0001>

<sc_bundles>
// kernel: kernel.5.cloned.1.call-start
scs
__scs_entry_jumppad:
0x0: {  	(pc) =	sbr.rel $0x88, $3  }
0x1: {  	(tag) =	ssettag $0x0;
	lr =	simm.s32 $0x1  }
0x2: {  	[smem:$0x3F9E] =	sst lr;
	_ =	strace $0xD0000000  }
0x3: {  	_ = 	snop  }
0x4: {  	_ = 	snop  }
0x5: {  	_ = 	snop  }
0x6: {  	_ = 	snop  }
0x7: {  	_ = 	snop  }
__scs_overlays_trampoline_lowered:
0x8: {  	[smem:$0x3FAD] =	sst s0  }
0x9: {  	[smem:$0x3FAE] =	sst s1  }
0xa: {  	[smem:$0x3FAF] =	sst s2  }
0xb: {  	[smem:$0x3FB0] =	sst s3  }
0xc: {  	[smem:$0x3FB1] =	sst s4  }
0xd: {  	[smem:$0x3FB2] =	sst s5  }
0xe: {  	[smem:$0x3FB3] =	sst s6  }
0xf: {  	[smem:$0x3FB4] =	sst s7  }
0x10: {  	[smem:$0x3FB5] =	sst s8  }
0x11: {  	[smem:$0x3FB6] =	sst s9;
	s0 =	simm.s32 @!p0 $0x0  }
0x12: {  	s1 =	sld [smem:$0x3F9C];
	s0 =	simm.s32 @p0 $0x1  }
0x13: {  	[smem:$0x3FB7] =	sst s0;
	s0 =	simm.s32 @!p1 $0x0  }
0x14: {  	s2 =	sld [smem:$0x3F9B];
	s0 =	simm.s32 @p1 $0x1  }
0x15: {  	[smem:$0x3FB8] =	sst s0;
	s0 =	simm.s32 @!p2 $0x0  }
0x16: {  	s3 =	sld [smem:$0x3FDB];
	s0 =	simm.s32 @p2 $0x1  }
0x17: {  	s4 =	simm.s32 $0x1BF5;
	[smem:$0x3FBA] =	sst s0  }
0x18: {  	s0 =	sld [smem:$0x3F9D];
	_ =	swait.ge [sflag:s4], $0x0  }
0x19: {  	s7 =	sld [smem:$0x3F9E]  }
0x1a: {  	s8 =	sadd.s32 $0xFFFFE003, lr  }
0x1b: {  	s9 =	sadd.s32 $0xFFFFFEF7, lr;
	s5 =	simm.s32 $0xFFFFFFFF;
	p2 =	slt.u32 s8, $0xFFFFF086  }
0x1c: {  	p1 =	slt.u32 s9, $0xF7A;
	s5 =	simm.s32 @!p2 $0x0  }
0x1d: {  	s5 =	simm.s32 @p1 $0x1;
	p0 =	seq.s32 s7, s2  }
0x1e: {  	s7 =	smul.u32 @!p0 $0xF7A, s2;
	p2 =	seq.s32 @!p0 s5, $0x0  }
0x1f: {  	s9 =	smul.u32 $0xF7A, s1;
	s8 =	simm.s32 @!p0 $0x1BF5;
	p2 =	por !p2, p0  }
0x20: {  	[sflag:s8] =	ssyncset.s32 @!p0 $0xFFFFF086;
	s6 =	sadd.s32 @!p0 s3, s7;
	s7 =	simm.s32 @!p0 $0x108  }
0x21: {  	s3 =	sadd.s32 s3, s9;
	s6 =	sadd.s32 @!p0 $0x88, s6;
	s7 =	simm.s32 @p2 $0x1082  }
0x22: {  	[simem:s7], [sflag:s8] =	dma.local @!p0 [hbm:s6], $0xF7A  }
0x23: {  	s9 =	sor.u32 $0xD0000000, s2;
	s6 =	simm.s32 $0x108;
	_ =	swait.ge @!p0 [sflag:s8], $0x0  }
0x24: {  	s3 =	sadd.s32 $0x88, s3;
	s6 =	simm.s32 @!p1 $0x1082;
	[sflag:s4] =	ssyncset.s32 $0xFFFFF086  }
0x25: {  	[simem:s6], [sflag:s4] =	dma.local [hbm:s3], $0xF7A  }
0x26: {  	[smem:$0x3F9E] =	sst s1;
	(tag) =	ssettag s2;
	_ =	strace s9  }
0x27: {  	s1 =	sld [smem:$0x3FAE]  }
0x28: {  	s2 =	sld [smem:$0x3FAF]  }
0x29: {  	s4 =	sld [smem:$0x3FB1]  }
0x2a: {  	p0 =	seq.s32 s5, $0x0;
	s5 =	sld [smem:$0x3FB2]  }
0x2b: {  	s6 =	sld [smem:$0x3FB3]  }
0x2c: {  	s7 =	sld [smem:$0x3FB4]  }
0x2d: {  	s3 =	simm.s32 $0x108;
	s8 =	sld [smem:$0x3FB5]  }
0x2e: {  	s3 =	simm.s32 @!p0 $0x1082;
	s9 =	sld [smem:$0x3FB6]  }
0x2f: {  	lr =	sadd.s32 s0, s3;
	s0 =	sld [smem:$0x3FAD]  }
0x30: {  	s3 =	sld [smem:$0x3FB0]  }
0x31: {  	[smem:$0x3FB9] =	sst s10  }
0x32: {  	s10 =	sld [smem:$0x3FB7];
	_ =	sdelay $0x3  }
0x33: {  	p0 =	seq.s32 s10, $0x1;
	s10 =	sld [smem:$0x3FB9];
	_ =	sdelay $0x3  }
0x34: {  	[smem:$0x3FB9] =	sst s10  }
0x35: {  	s10 =	sld [smem:$0x3FB8];
	_ =	sdelay $0x3  }
0x36: {  	p1 =	seq.s32 s10, $0x1;
	s10 =	sld [smem:$0x3FB9];
	_ =	sdelay $0x3  }
0x37: {  	[smem:$0x3FB9] =	sst s10  }
0x38: {  	s10 =	sld [smem:$0x3FBA]  }
0x39: {  	_ = 	snop;
	(pc) =	sbr.ind lr, $3  }
0x3a: {  	_ = 	snop  }
0x3b: {  	_ = 	snop  }
0x3c: {  	p2 =	seq.s32 s10, $0x1;
	s10 =	sld [smem:$0x3FB9]  }
0x3d: {  	_ =	shalt  }
0x3e: {  	_ =	shalt  }
0x3f: {  	_ =	shalt  }
0x40: {  	_ =	shalt  }
0x41: {  	_ =	shalt  }
0x42: {  	_ =	shalt  }
0x43: {  	_ =	shalt  }
0x44: {  	_ =	shalt  }
0x45: {  	_ =	shalt  }
0x46: {  	_ =	shalt  }
0x47: {  	_ =	shalt  }
0x48: {  	_ =	shalt  }
0x49: {  	_ =	shalt  }
0x4a: {  	_ =	shalt  }
0x4b: {  	_ =	shalt  }
0x4c: {  	_ =	shalt  }
0x4d: {  	_ =	shalt  }
0x4e: {  	_ =	shalt  }
0x4f: {  	_ =	shalt  }
0x50: {  	_ =	shalt  }
0x51: {  	_ =	shalt  }
0x52: {  	_ =	shalt  }
0x53: {  	_ =	shalt  }
0x54: {  	_ =	shalt  }
0x55: {  	_ =	shalt  }
0x56: {  	_ =	shalt  }
0x57: {  	_ =	shalt  }
0x58: {  	_ =	shalt  }
0x59: {  	_ =	shalt  }
0x5a: {  	_ =	shalt  }
0x5b: {  	_ =	shalt  }
0x5c: {  	_ =	shalt  }
0x5d: {  	_ =	shalt  }
0x5e: {  	_ =	shalt  }
0x5f: {  	_ =	shalt  }
0x60: {  	_ =	shalt  }
0x61: {  	_ =	shalt  }
0x62: {  	_ =	shalt  }
0x63: {  	_ =	shalt  }
0x64: {  	_ =	shalt  }
0x65: {  	_ =	shalt  }
0x66: {  	_ =	shalt  }
0x67: {  	_ =	shalt  }
0x68: {  	_ =	shalt  }
0x69: {  	_ =	shalt  }
0x6a: {  	_ =	shalt  }
0x6b: {  	_ =	shalt  }
0x6c: {  	_ =	shalt  }
0x6d: {  	_ =	shalt  }
0x6e: {  	_ =	shalt  }
0x6f: {  	_ =	shalt  }
0x70: {  	_ =	shalt  }
0x71: {  	_ =	shalt  }
0x72: {  	_ =	shalt  }
0x73: {  	_ =	shalt  }
0x74: {  	_ =	shalt  }
0x75: {  	_ =	shalt  }
0x76: {  	_ =	shalt  }
0x77: {  	_ =	shalt  }
0x78: {  	_ =	shalt  }
0x79: {  	_ =	shalt  }
0x7a: {  	_ =	shalt  }
0x7b: {  	_ =	shalt  }
0x7c: {  	_ =	shalt  }
0x7d: {  	_ =	shalt  }
0x7e: {  	_ =	shalt  }
0x7f: {  	_ =	shalt  }
0x80: {  	_ =	shalt  }
0x81: {  	_ =	shalt  }
0x82: {  	_ =	shalt  }
0x83: {  	_ =	shalt  }
0x84: {  	_ =	shalt  }
0x85: {  	_ =	shalt  }
0x86: {  	_ =	shalt  }
0x87: {  	_ =	shalt  }
.Lfunc_end0:
.L_simem_size_0:
called_computation_lowered:
.L_overlay_start_0:
0x88: {  	s2 =	sld [smem:$0x3FD9]  }
0x89: {  	s3 =	sld [smem:$0x3FFE];
	_ =	sdelay $0x1  }
0x8a: {  	s1 =	srdreg.scid  }
0x8b: {  	s0 =	sand.u32 $0x1, s1  }
0x8c: {  	s14 =	sshll.u32 s0, $0xA;
	s2 =	sadd.s32 s3, s2  }
0x8d: {  	s2 =	sadd.s32 s2, s14  }
0x8e: {  	[smem:$0x3FC5] =	sst s2  }
0x8f: {  	_ = 	snop  }
0x90: {  	s2 =	sld [smem:$0x3FD0];
	_ =	sdelay $0x2  }
0x91: {  	s15 =	simm.s32 $0xA;
	s4 =	simm.s32 $0x10  }
0x92: {  	[smem:s4], [sflag:s15] =	dma.local [hbm:s2], $0x1  }
0x93: {  	_ =	swait.eq [sflag:s15], $0x1  }
0x94: {  	[sflag:s15] =	ssyncset.done $0x0  }
0x95: {  	s16 =	sld [smem:$0x10];
	[sflag:s15] =	ssyncadd.s32 $0xFFFFFFFF  }
0x96: {  	s17 =	sld [smem:$0x12];
	(tm) =	ssettm $0x1  }
0x97: {  	s18 =	sld [smem:$0x3FFB];
	_ =	sdelay $0x3  }
0x98: {  	_ =	strace s18  }
0x99: {  	s4 =	sld [smem:$0x3FFC];
	_ =	sdelay $0x3  }
0x9a: {  	_ =	strace s4  }
0x9b: {  	s4 =	sld [smem:$0x3FFD];
	_ =	sdelay $0x3  }
0x9c: {  	_ =	strace s4  }
0x9d: {  	_ =	strace $0x8FFFFFFF  }
0x9e: {  	s19 =	sld [smem:$0x3FDB];
	_ =	sdelay $0x1  }
0x9f: {  	s5 =	simm.s32 $_scs_section_size  }
0xa0: {  	s6 =	simm.s32 $_size__tile_overlayer_lowered;
	s7 =	simm.s32 $_tile_overlayer_lowered  }
0xa1: {  	s22 =	simm.s32 $0x1BFF;
	s21 =	sshll.u32 s7, $0x1;
	s4 =	sadd.s32 s5, s19  }
0xa2: {  	s8 =	simm.s32 $0x0;
	s20 =	sshll.u32 s6, $0x1;
	s6 =	sadd.s32 s21, s4  }
0xa3: {  	[timem:s8], [sflag:s22] =	dma.local [hbm:s6], s20  }
0xa4: {  	_ =	swait.ge [sflag:s22], s20  }
0xa5: {  	s5 =	ssub.s32 $0x0, s20;
	[sflag:s22] =	ssyncset.done $0x0  }
0xa6: {  	[sflag:s22] =	ssyncadd.s32 s5;
	_ =	sdelay $0x1  }
0xa7: {  	s23 =	simm.s32 $0x1B8B  }
0xa8: {  	_ =	swait.ge [sflag:s23], $0x1  }
0xa9: {  	[sflag:s23] =	ssyncset.done $0x0  }
0xaa: {  	s25 =	simm.s32 $0x1B8E;
	s24 =	sld [smem:$0x3FFE];
	[sflag:s23] =	ssyncadd.s32 $0xFFFFFFFF  }
0xab: {  	s26 =	simm.s32 $execute0_lowered;
	[smem:$0x3FD2] =	sst s25  }
0xac: {  	s6 =	sshll.u32 s26, $0x1;
	_ =	strace $0x80000046;
	[dreg:$0x1] =	wrdreg $0xFFFFFFFF  }
0xad: {  	s28 =	simm.s32 $_size_execute0_lowered;
	s4 =	sadd.s32 s4, s6;
	[dreg:$0x0] =	wrdreg $0x0  }
0xae: {  	s6 =	sshll.u32 s28, $0x1;
	[dreg:$0x2] =	wrdreg s4  }
0xaf: {  	[dreg:$0x3] =	wrdreg s6  }
0xb0: {  	[dreg:$0x4] =	wrdreg $0xC0  }
0xb1: {  	_ =	task [dreg:s8], $0x5FFFF  }
0xb2: {  	[dreg:$0x1] =	wrdreg $0xFFFFFFFF  }
0xb3: {  	[dreg:$0x0] =	wrdreg $0x60  }
0xb4: {  	[dreg:$0x2] =	wrdreg s24  }
0xb5: {  	[dreg:$0x3] =	wrdreg s17  }
0xb6: {  	[dreg:$0x4] =	wrdreg s16  }
0xb7: {  	[dreg:$0x5] =	wrdreg $0x21000  }
0xb8: {  	[dreg:$0x6] =	wrdreg $0x9  }
0xb9: {  	_ =	task.clear_ibuf [dreg:s8], $0x7FFFF;
	_ =	strace $0x90000046  }
0xba: {  	s29 =	simm.s32 $0x9;
	_ =	strace $0x80000048  }
0xbb: {  	_ =	swait.ge [sflag:s29], $0x1  }
0xbc: {  	[sflag:s29] =	ssyncadd.s32 $0xFFFFFFFF  }
0xbd: {  	_ =	strace $0x90000048  }
0xbe: {  	_ =	sfence  }
0xbf: {  	s30 =	sld [smem:$0x0];
	_ =	sdelay $0x2  }
0xc0: {  	s31 =	sshll.u32 s1, $0xD;
	s1 =	sshrl.u32 s1, $0x2  }
0xc1: {  	s3 =	sand.u32 $0x4000, s31;
	s1 =	sadd.s32 s1, s30  }
0xc2: {  	s0 =	sor.u32 s3, s0;
	s1 =	sshll.u32 s1, $0x11  }
0xc3: {  	s0 =	sor.u32 s1, s0  }
0xc4: {  	s0 =	sadd.s32 $0x8F2B, s0  }
0xc5: {  	[sflag:s0] =	ssyncadd.remote.s32 $0x1  }
0xc6: {  	_ =	sfence.sel $0xFFFF  }
0xc7: {  	[dreg:$0x0] =	wrdreg $0xFFFFFFFF;
	(pc) =	sbr.abs _section_cstart, $3  }
0xc8: {  	[dreg:$0x1] =	wrdreg $0xFFFFFFFF  }
0xc9: {  	_ =	task.clear_ibuf [dreg:s8], $0x2FFFF;
	_ =	strace $0x9FFFFFFF  }
0xca: {  	(tm) =	ssettm $0x7FFFFFFF  }
0xcb: {  	_ =	shalt  }
tec
execute0_lowered:
.L_overlay_start_1:
0x0: {  	(tag) =	ssettag $0x1  }
0x1: {  	s0 =	srdreg.scid  }
0x2: {  	s22 =	rddreg [dreg:$0x0];
	s11 =	stileid.u32;
	s23 =	sand.u32 $0x1, s0  }
0x3: {  	s1 =	rddreg [dreg:$0x1];
	s30 =	sshll.u32 s11, $0x8;
	s3 =	sshll.u32 s23, $0x7  }
0x4: {  	s9 =	rddreg [dreg:$0x2];
	s10 =	sor.u32 s3, s30  }
0x5: {  	s2 =	rddreg [dreg:$0x3];
	s3 =	simm.s32 $0x0;
	s4 =	sshrl.u32 s10, $0x3  }
0x6: {  	s5 =	simm.s32 $0x2;
	[smem:$0x7FF] =	sst s3;
	s4 =	sadd.s32 s4, s22  }
0x7: {  	s0 =	rddreg [dreg:$0x4];
	_ =	strace $0x80000047;
	s4 =	sadd.s32 $0x10E00, s4  }
0x8: {  	[tilespmem:s3], [sflag:$0x2] =	stream.linear.gather [hbm4b:s4+s3], $0x80, $0x38;
	[tilespmem:$0x2300] =	vst v63  }
0x9: {  	_ =	swait.ge [sflag:s5], $0x80  }
0xa: {  	s7 =	simm.s32 $0x80;
	[sflag:s5] =	ssyncset.done $0x0  }
0xb: {  	s8 =	simm.s32 $0x1;
	s6 =	sadd.s32 $0xE00, s22;
	[sflag:s5] =	ssyncadd.s32 $0xFFFFFF80  }
0xc: {  	[tilespmem:s7], [sflag:$0x1] =	stream.indirect.gather [hbm4b:s6+s7], $0x40, s3, s7, $0xb8;
	[tilespmem:$0x2300] =	vst v63  }
0xd: {  	_ =	swait.ge [sflag:s8], $0x2000  }
0xe: {  	s10 =	sshll.u32 s10, $0x3;
	[sflag:s8] =	ssyncset.done $0x0  }
0xf: {  	s9 =	sadd.s32 s9, s10;
	[sflag:s8] =	ssyncadd.s32 $0xFFFFE000  }
0x10: {  	[hbm4b:s9+s3] =	stream.linear.scatter [tilespmem:s7], [sflag:$0x2], $0x2000, $0x38;
	[tilespmem:$0x2300] =	vst v63  }
0x11: {  	_ =	swait.ge [sflag:s5], $0x2000  }
0x12: {  	[sflag:s5] =	ssyncset.done $0x0  }
0x13: {  	s10 =	simm.s32 $0x2080;
	[sflag:s5] =	ssyncadd.s32 $0xFFFFE000  }
0x14: {  	[tilespmem:s10], [sflag:$0x2] =	stream.linear.gather [hbm4b:s1+s3], $0x80, $0x38;
	[tilespmem:$0x2300] =	vst v63  }
0x15: {  	_ =	swait.ge [sflag:s5], $0x80  }
0x16: {  	p0 =	sne.s32 s11, $0x0;
	[sflag:s5] =	ssyncset.done $0x0  }
0x17: {  	s11 =	simm.s32 @p0 $0x2080;
	s12 =	simm.s32 @p0 $0x2;
	[sflag:s5] =	ssyncadd.s32 $0xFFFFFF80  }
0x18: {  	s13 =	simm.s32 @p0 $0x80;
	s14 =	simm.s32 @p0 $0x0;
	[bflag:$0x0] =	sbarrier.arrive @p0 $0xFFFF  }
0x19: {  	[spmem:s2] =	stream.indirect.scatter.add.f32 @p0 [tilespmem:s11], [sflag:$0x2], $0x1, s14, s13, $0xb8;
	[tilespmem:$0x2300] =	vst v63  }
0x1a: {  	_ =	swait.ge @p0 [sflag:s12], $0x80  }
0x1b: {  	[sflag:s12] =	ssyncset.done @p0 $0x0  }
0x1c: {  	s15 =	sadd.s32 $0x11000, s22;
	s17 =	sshrl.u32 @!p0 s2, $0x3;
	[sflag:s12] =	ssyncadd.s32 @p0 $0xFFFFFF80  }
0x1d: {  	s18 =	simm.s32 @!p0 $0x1C02;
	s16 =	simm.s32 @!p0 $0x2;
	[bflag:$0x0] =	sbarrier.arrive @p0 $0xFFFF  }
0x1e: {  	[spmem:s17], [sflag:s18] =	dma.local @!p0 [hbm:s15], $0x400  }
0x1f: {  	s24 =	ssub.s32 $0x2, s23;
	s19 =	simm.s32 @!p0 $0x2080;
	_ =	swait.ge @!p0 [sflag:s16], $0x400  }
0x20: {  	s20 =	simm.s32 @!p0 $0x80;
	s25 =	sshrl.u32 s24, $0x1;
	[sflag:s16] =	ssyncset.done @!p0 $0x0  }
0x21: {  	s21 =	simm.s32 @!p0 $0x0;
	s24 =	ssub.s32 s24, s25;
	[sflag:s16] =	ssyncadd.s32 @!p0 $0xFFFFFC00  }
0x22: {  	s23 =	sshll.u32 s23, $0xA;
	s31 =	smax.u32 s24, $0x1;
	[bflag:$0x0] =	sbarrier.arrive @!p0 $0xFFFF  }
0x23: {  	[spmem:s2] =	stream.indirect.scatter.add.f32 @!p0 [tilespmem:s19], [sflag:$0x2], $0x1, s21, s20, $0xb8;
	[tilespmem:$0x2300] =	vst v63  }
0x24: {  	s22 =	sadd.s32 s23, s22;
	s23 =	sadd.s32 $0xFFFFFFFF, s31;
	_ =	swait.ge @!p0 [sflag:s16], $0x80  }
0x25: {  	p1 =	sne.s32 s23, $0x0;
	[sflag:s16] =	ssyncset.done @!p0 $0x0  }
.Ltmp0:
0x26: {  	[sflag:s16] =	ssyncadd.s32 @!p0 $0xFFFFFF80;
	(pc) =	sbr.rel @!p1 .LBB2_2-.Ltmp0, $4  }
0x27: {  	s22 =	sadd.s32 $0x11400, s22;
	[bflag:$0x0] =	sbarrier.arrive @!p0 $0xFFFF  }
0x28: {  	[hbm:s22], [sflag:s18] =	dma.local @!p0 [spmem:s17], $0x400  }
0x29: {  	_ =	swait.ge @!p0 [sflag:s16], $0x400  }
0x2a: {  	[sflag:s16] =	ssyncset.done @!p0 $0x0  }
.LBB2_1:
0x2b: {  	s23 =	sadd.s32 $0xFFFFFFFF, s23;
	[sflag:s16] =	ssyncadd.s32 @!p0 $0xFFFFFC00  }
0x2c: {  	[tilespmem:s3], [sflag:$0x2] =	stream.linear.gather [hbm4b:s4+s3], $0x80, $0x38;
	[tilespmem:$0x2300] =	vst v63  }
0x2d: {  	p1 =	sne.s32 s23, $0x0;
	_ =	swait.ge [sflag:s5], $0x80  }
0x2e: {  	[sflag:s5] =	ssyncset.done $0x0  }
0x2f: {  	[sflag:s5] =	ssyncadd.s32 $0xFFFFFF80  }
0x30: {  	[tilespmem:s7], [sflag:$0x1] =	stream.indirect.gather [hbm4b:s6+s7], $0x40, s3, s7, $0xb8;
	[tilespmem:$0x2300] =	vst v63  }
0x31: {  	_ =	swait.ge [sflag:s8], $0x2000  }
0x32: {  	[sflag:s8] =	ssyncset.done $0x0  }
0x33: {  	[sflag:s8] =	ssyncadd.s32 $0xFFFFE000  }
0x34: {  	[hbm4b:s9+s3] =	stream.linear.scatter [tilespmem:s7], [sflag:$0x2], $0x2000, $0x38;
	[tilespmem:$0x2300] =	vst v63  }
0x35: {  	_ =	swait.ge [sflag:s5], $0x2000  }
0x36: {  	[sflag:s5] =	ssyncset.done $0x0  }
0x37: {  	[sflag:s5] =	ssyncadd.s32 $0xFFFFE000  }
0x38: {  	[tilespmem:s10], [sflag:$0x2] =	stream.linear.gather [hbm4b:s1+s3], $0x80, $0x38;
	[tilespmem:$0x2300] =	vst v63  }
0x39: {  	_ =	swait.ge [sflag:s5], $0x80  }
0x3a: {  	[sflag:s5] =	ssyncset.done $0x0  }
0x3b: {  	[sflag:s5] =	ssyncadd.s32 $0xFFFFFF80  }
0x3c: {  	[bflag:$0x0] =	sbarrier.arrive @p0 $0xFFFF  }
0x3d: {  	[spmem:s2] =	stream.indirect.scatter.add.f32 @p0 [tilespmem:s11], [sflag:$0x2], $0x1, s14, s13, $0xb8;
	[tilespmem:$0x2300] =	vst v63  }
0x3e: {  	_ =	swait.ge @p0 [sflag:s12], $0x80  }
0x3f: {  	[sflag:s12] =	ssyncset.done @p0 $0x0  }
0x40: {  	[sflag:s12] =	ssyncadd.s32 @p0 $0xFFFFFF80  }
0x41: {  	[bflag:$0x0] =	sbarrier.arrive @p0 $0xFFFF  }
0x42: {  	[spmem:s17], [sflag:s18] =	dma.local @!p0 [hbm:s15], $0x400  }
0x43: {  	_ =	swait.ge @!p0 [sflag:s16], $0x400  }
0x44: {  	[sflag:s16] =	ssyncset.done @!p0 $0x0  }
0x45: {  	[sflag:s16] =	ssyncadd.s32 @!p0 $0xFFFFFC00  }
0x46: {  	[bflag:$0x0] =	sbarrier.arrive @!p0 $0xFFFF  }
0x47: {  	[spmem:s2] =	stream.indirect.scatter.add.f32 @!p0 [tilespmem:s19], [sflag:$0x2], $0x1, s21, s20, $0xb8;
	[tilespmem:$0x2300] =	vst v63  }
0x48: {  	_ =	swait.ge @!p0 [sflag:s16], $0x80  }
0x49: {  	[sflag:s16] =	ssyncset.done @!p0 $0x0  }
.Ltmp1:
0x4a: {  	[sflag:s16] =	ssyncadd.s32 @!p0 $0xFFFFFF80;
	(pc) =	sbr.rel @p1 .LBB2_1-.Ltmp1, $4  }
0x4b: {  	[bflag:$0x0] =	sbarrier.arrive @!p0 $0xFFFF  }
0x4c: {  	[hbm:s22], [sflag:s18] =	dma.local @!p0 [spmem:s17], $0x400  }
0x4d: {  	_ =	swait.ge @!p0 [sflag:s16], $0x400  }
0x4e: {  	[sflag:s16] =	ssyncset.done @!p0 $0x0  }
.LBB2_2:
0x4f: {  	[sflag:s16] =	ssyncadd.s32 @!p0 $0xFFFFFC00  }
0x50: {  	_ =	sfence.sel $0x180000  }
0x51: {  	[bflag:$0x0] =	sbarrier.arrive $0xFFFF  }
0x52: {  	_ =	strace $0x90000047  }
0x53: {  	s0 =	sadd.s32 @!p0 $0x100000, s0;
	[bflag:$0x2] =	sbarrier.arrive $0xFFFF  }
0x54: {  	[sflag:s0] =	ssyncadd.tile.s32 @!p0 $0x1;
	_ =	shalt  }
.Lfunc_end2:
_tile_overlayer_lowered:
.L_overlay_start_2:
0x55: {  	(tag) =	ssettag $0x2  }
0x56: {  	s0 =	rddreg [dreg:$0x0];
	s2 =	stileid.u32  }
0x57: {  	s1 =	rddreg [dreg:$0x1];
	p0 =	sne.s32 s2, $0x0  }
0x58: {  	s3 =	rddreg [dreg:$0x2];
	[bflag:$0x3] =	sbarrier.arrive $0xFFFF;
	s2 =	simm.s32 @!p0 $0x1C02  }
0x59: {  	[timem:s3], [sflag:s2] =	dma.local @!p0 [hbm:s0], s1  }
0x5a: {  	s0 =	simm.s32 @!p0 $0x2  }
0x5b: {  	_ =	swait.ge @!p0 [sflag:s0], s1  }
0x5c: {  	s1 =	ssub.s32 @!p0 $0x0, s1;
	[sflag:s0] =	ssyncset.done @!p0 $0x0  }
0x5d: {  	[sflag:s0] =	ssyncadd.s32 @!p0 s1  }
0x5e: {  	[bflag:$0x3] =	sbarrier.arrive $0xFFFF  }
0x5f: {  	_ =	shalt  }

</sc_bundles>
